<compile_context>
chip_gen: v7x
topology: tpu7x:2x2x1
jax: 0.10.2.dev20260603
libtpu: 0.0.44.dev20260713+nightly
codegen_flags: <defaults>
</compile_context>

<pallas_src>
import jax
import jax.numpy as jnp
from jax import lax
from jax.experimental import pallas as pl
from jax.experimental.pallas import tpu as pltpu
from jax.experimental.pallas import tpu_sc as plsc

SEQ_LEN = 200
N_DIMS = 64
BATCH = 4096
PAIR = 2 * N_DIMS
T_PAIRS = SEQ_LEN // 2

NUM_CORES = 2
NUM_SUBCORES = 16
NUM_WORKERS = NUM_CORES * NUM_SUBCORES
BPW = BATCH // NUM_WORKERS

NBUF_G = 4
NBUF_O = 2
SCR = 256


def _body(resp_hbm, pos_hbm, tab_hbm, out_hbm, idx_ring, gbuf, obuf, pos_v,
          sem_i, sem_g, sem_o):
    wid = lax.axis_index("s") * NUM_CORES + lax.axis_index("c")
    b0 = wid * BPW

    pltpu.sync_copy(pos_hbm, pos_v)

    def idx_desc(s, kg):
        return pltpu.make_async_copy(
            resp_hbm.at[pl.ds(s * BATCH + b0, BPW)],
            idx_ring.at[pl.ds(kg * SCR, BPW)],
            sem_i.at[kg],
        )

    def gather_desc(kg):
        return pltpu.make_async_copy(
            tab_hbm.at[idx_ring.at[pl.ds(kg * SCR, BPW)]],
            gbuf.at[kg],
            sem_g.at[kg],
        )

    def out_slice(t):
        return out_hbm.at[pl.ds(b0, BPW), pl.ds(t * PAIR, PAIR)]

    for s in range(2):
        idx_desc(s, s).start()
        idx_desc(s, s).wait()
    gather_desc(0).start()
    gather_desc(1).start()
    idx_desc(2, 2).start()
    idx_desc(3, 3).start()

    def do_pair(t, ka, kb, ko, last):
        gather_desc(ka).wait()
        gather_desc(kb).wait()

        @pl.when(t - NBUF_O >= 0)
        def _():
            pltpu.make_async_copy(
                obuf.at[ko], out_slice(t - NBUF_O), sem_o.at[ko]
            ).wait()

        if not last:
            ka_n, kb_n = (ka + 2) % NBUF_G, (kb + 2) % NBUF_G

            @pl.when(t + 1 <= T_PAIRS - 1)
            def _():
                idx_desc(2 * t + 2, ka_n).wait()
                idx_desc(2 * t + 3, kb_n).wait()
                gather_desc(ka_n).start()
                gather_desc(kb_n).start()

            @pl.when(t + 2 <= T_PAIRS - 1)
            def _():
                idx_desc(2 * t + 4, ka).start()
                idx_desc(2 * t + 5, kb).start()

        pv = [
            pos_v[pl.ds(2 * t * N_DIMS + 16 * j, 16)]
            for j in range(PAIR // 16)
        ]

        def add_row(b, c_):
            for h, kg in ((0, ka), (1, kb)):
                for l in range(N_DIMS // 16):
                    obuf[ko, b, pl.ds(h * N_DIMS + 16 * l, 16)] = (
                        gbuf[kg, b, pl.ds(16 * l, 16)]
                        + pv[h * (N_DIMS // 16) + l]
                    )
            return c_

        lax.fori_loop(0, BPW, add_row, 0, unroll=2)
        pltpu.async_copy(obuf.at[ko], out_slice(t), sem_o.at[ko])

    def step(i, carry):
        for k2 in range(2):
            t = i * 2 + k2
            ka = (2 * k2) % NBUF_G
            kb = (2 * k2 + 1) % NBUF_G
            ko = k2 % NBUF_O
            do_pair(t, ka, kb, ko, last=False)
        return carry

    lax.fori_loop(0, T_PAIRS // 2, step, 0)
    for t in range(T_PAIRS - NBUF_O, T_PAIRS):
        ko = t % NBUF_O
        pltpu.make_async_copy(obuf.at[ko], out_slice(t), sem_o.at[ko]).wait()


@jax.jit
def _run(resp_flat, pos_flat, tab_pad):
    mesh = plsc.VectorSubcoreMesh(core_axis_name="c", subcore_axis_name="s")
    f = pl.kernel(
        _body,
        out_type=jax.ShapeDtypeStruct((BATCH, SEQ_LEN * N_DIMS), jnp.float32),
        mesh=mesh,
        scratch_types=[
            pltpu.VMEM((NBUF_G * SCR,), jnp.int32),
            pltpu.VMEM((NBUF_G, BPW, PAIR), jnp.float32),
            pltpu.VMEM((NBUF_O, BPW, PAIR), jnp.float32),
            pltpu.VMEM((SEQ_LEN * N_DIMS,), jnp.float32),
            pltpu.SemaphoreType.DMA((NBUF_G,)),
            pltpu.SemaphoreType.DMA((NBUF_G,)),
            pltpu.SemaphoreType.DMA((NBUF_O,)),
        ],
        compiler_params=pltpu.CompilerParams(use_tc_tiling_on_sc=True),
    )
    out = f(resp_flat, pos_flat, tab_pad)
    return out.reshape(BATCH, SEQ_LEN, N_DIMS)


def kernel(response, position_embed, response_embed):
    resp_flat = response.astype(jnp.int32).T.reshape(-1)
    pos_flat = position_embed.reshape(-1)
    tab_pad = jnp.pad(response_embed, ((0, 0), (0, PAIR - N_DIMS)))
    return _run(resp_flat, pos_flat, tab_pad)

# --- scband reference (transcript-rebuilt; emitter-appended) ---
"""Pipeline reference for scband-decoder-embedding-54932631715846 (READ-ONLY COPY).

The authoritative reference and input builder live on the scoring server;
editing this copy changes nothing except your own understanding.
"""

import jax, jax.numpy as jnp
import numpy as np

SEQ_LEN = 200
N_RESPONSE = 100000
N_DIMS = 64
BATCH = 4096

def setup_inputs(seed: int = 0) -> dict:
    key = jax.random.key(seed)
    k1, k2, k3 = jax.random.split(key, 3)
    response = jax.random.randint(k1, (BATCH, SEQ_LEN), 0, N_RESPONSE, dtype=jnp.int64 if jax.config.jax_enable_x64 else jnp.int32)
    position_embed = jax.random.normal(k2, (SEQ_LEN, N_DIMS), dtype=jnp.float32)
    response_embed = jax.random.normal(k3, (N_RESPONSE, N_DIMS), dtype=jnp.float32)
    return {"response": response, "position_embed": position_embed, "response_embed": response_embed}

def reference(response, position_embed, response_embed):
    seq = jnp.arange(SEQ_LEN)[None, :]              # [1, S]
    pos = jnp.take(position_embed, seq, axis=0)     # [1, S, D]
    res = jnp.take(response_embed, response, axis=0)  # [B, S, D]
    return pos + res

if __name__ == "__main__":
    import jax
    _d = setup_inputs()
    print(jax.jit(kernel)(*tuple(_d.values())))

</pallas_src>

<mosaic_0001>
#map = affine_map<(d0, d1) -> (0)>
#map1 = affine_map<(d0, d1) -> (0, 0)>
module attributes {stable_mosaic.version = 14 : i64} {
  func.func @_body(%arg0: i32, %arg1: i32, %arg2: memref<819200xi32, #tpu.memory_space<hbm>>, %arg3: memref<12800xf32, #tpu.memory_space<hbm>>, %arg4: memref<100000x128xf32, #tpu.memory_space<hbm>>, %arg5: memref<4096x12800xf32, #tpu.memory_space<hbm>>, %arg6: memref<1024xi32, #tpu.memory_space<vmem>>, %arg7: memref<4x128x128xf32, #tpu.memory_space<vmem>>, %arg8: memref<2x128x128xf32, #tpu.memory_space<vmem>>, %arg9: memref<12800xf32, #tpu.memory_space<vmem>>, %arg10: memref<4x!tpu.dma_semaphore, #tpu.memory_space<semaphore_mem>>, %arg11: memref<4x!tpu.dma_semaphore, #tpu.memory_space<semaphore_mem>>, %arg12: memref<2x!tpu.dma_semaphore, #tpu.memory_space<semaphore_mem>>) attributes {dimension_semantics = [#tpu.dimension_semantics<core_parallel>, #tpu.dimension_semantics<subcore_parallel>], iteration_bounds = array<i64: 2, 16>, scalar_prefetch = 0 : i64, scratch_operands = 7 : i64, tpu.core_type = #tpu.core_type<sc_vector_subcore>, window_params = [{transform_indices = #map}, {transform_indices = #map}, {transform_indices = #map1}, {transform_indices = #map1}]} {
    %mul3A = arith.constant 2 : i32
    %mul3A_0 = arith.muli %arg1, %mul3A : i32
    %add3A = arith.addi %mul3A_0, %arg0 : i32
    %mul3A_1 = arith.constant 128 : i32
    %mul3A_2 = arith.muli %add3A, %mul3A_1 : i32
    "tpu.region"() ({
      %run_scoped3A = tpu.sem_alloc : memref<!tpu.dma_semaphore, #tpu.memory_space<semaphore_mem>>
      tpu.enqueue_dma source(%arg3 : memref<12800xf32, #tpu.memory_space<hbm>>) target(%arg9 : memref<12800xf32, #tpu.memory_space<vmem>>) target_semaphore(%run_scoped3A : memref<!tpu.dma_semaphore, #tpu.memory_space<semaphore_mem>>)
      tpu.wait_dma2 semaphore(%run_scoped3A : memref<!tpu.dma_semaphore, #tpu.memory_space<semaphore_mem>>) src(%arg3 : memref<12800xf32, #tpu.memory_space<hbm>>) dst(%arg9 : memref<12800xf32, #tpu.memory_space<vmem>>)
      tpu.yield
    }) : () -> ()
    %add3A_3 = arith.constant 0 : i32
    %add3A_4 = arith.addi %add3A_3, %mul3A_2 : i32
    %dma_start3A = arith.constant 0 : i32
    %dma_start3A_5 = arith.constant 0 : i32
    %dma_start3A_6 = tpu.memref_slice %arg6[%dma_start3A_5] : memref<1024xi32, #tpu.memory_space<vmem>> -> memref<128xi32, #tpu.memory_space<vmem>>
    %dma_start3A_7 = tpu.memref_slice %arg2[%add3A_4] : memref<819200xi32, #tpu.memory_space<hbm>> -> memref<128xi32, #tpu.memory_space<hbm>>
    %dma_start3A_8 = tpu.memref_slice %arg10[%dma_start3A] : memref<4x!tpu.dma_semaphore, #tpu.memory_space<semaphore_mem>> -> memref<1x!tpu.dma_semaphore, #tpu.memory_space<semaphore_mem>>
    %dma_start3A_9 = tpu.memref_squeeze %dma_start3A_8 : memref<1x!tpu.dma_semaphore, #tpu.memory_space<semaphore_mem>> -> memref<!tpu.dma_semaphore, #tpu.memory_space<semaphore_mem>>
    %dma_start3A_10 = arith.constant 0 : i32
    %dma_start3A_11 = tpu.memref_slice %arg6[%dma_start3A_10] : memref<1024xi32, #tpu.memory_space<vmem>> -> memref<128xi32, #tpu.memory_space<vmem>>
    %dma_start3A_12 = tpu.memref_slice %arg2[%add3A_4] : memref<819200xi32, #tpu.memory_space<hbm>> -> memref<128xi32, #tpu.memory_space<hbm>>
    tpu.enqueue_dma source(%dma_start3A_12 : memref<128xi32, #tpu.memory_space<hbm>>) target(%dma_start3A_11 : memref<128xi32, #tpu.memory_space<vmem>>) target_semaphore(%dma_start3A_9 : memref<!tpu.dma_semaphore, #tpu.memory_space<semaphore_mem>>)
    %add3A_13 = arith.constant 0 : i32
    %add3A_14 = arith.addi %add3A_13, %mul3A_2 : i32
    %dma_wait3A = arith.constant 0 : i32
    %dma_wait3A_15 = arith.constant 0 : i32
    %dma_wait3A_16 = tpu.memref_slice %arg6[%dma_wait3A_15] : memref<1024xi32, #tpu.memory_space<vmem>> -> memref<128xi32, #tpu.memory_space<vmem>>
    %dma_wait3A_17 = tpu.memref_slice %arg2[%add3A_14] : memref<819200xi32, #tpu.memory_space<hbm>> -> memref<128xi32, #tpu.memory_space<hbm>>
    %dma_wait3A_18 = tpu.memref_slice %arg10[%dma_wait3A] : memref<4x!tpu.dma_semaphore, #tpu.memory_space<semaphore_mem>> -> memref<1x!tpu.dma_semaphore, #tpu.memory_space<semaphore_mem>>
    %dma_wait3A_19 = tpu.memref_squeeze %dma_wait3A_18 : memref<1x!tpu.dma_semaphore, #tpu.memory_space<semaphore_mem>> -> memref<!tpu.dma_semaphore, #tpu.memory_space<semaphore_mem>>
    %dma_wait3A_20 = arith.constant 0 : i32
    %dma_wait3A_21 = tpu.memref_slice %arg6[%dma_wait3A_20] : memref<1024xi32, #tpu.memory_space<vmem>> -> memref<128xi32, #tpu.memory_space<vmem>>
    %dma_wait3A_22 = tpu.memref_slice %arg2[%add3A_14] : memref<819200xi32, #tpu.memory_space<hbm>> -> memref<128xi32, #tpu.memory_space<hbm>>
    tpu.wait_dma2 semaphore(%dma_wait3A_19 : memref<!tpu.dma_semaphore, #tpu.memory_space<semaphore_mem>>) src(%dma_wait3A_22 : memref<128xi32, #tpu.memory_space<hbm>>) dst(%dma_wait3A_21 : memref<128xi32, #tpu.memory_space<vmem>>)
    %add3A_23 = arith.constant 4096 : i32
    %add3A_24 = arith.addi %add3A_23, %mul3A_2 : i32
    %dma_start3A_25 = arith.constant 1 : i32
    %dma_start3A_26 = arith.constant 256 : i32
    %dma_start3A_27 = tpu.memref_slice %arg6[%dma_start3A_26] : memref<1024xi32, #tpu.memory_space<vmem>> -> memref<128xi32, #tpu.memory_space<vmem>>
    %dma_start3A_28 = tpu.memref_slice %arg2[%add3A_24] : memref<819200xi32, #tpu.memory_space<hbm>> -> memref<128xi32, #tpu.memory_space<hbm>>
    %dma_start3A_29 = tpu.memref_slice %arg10[%dma_start3A_25] : memref<4x!tpu.dma_semaphore, #tpu.memory_space<semaphore_mem>> -> memref<1x!tpu.dma_semaphore, #tpu.memory_space<semaphore_mem>>
    %dma_start3A_30 = tpu.memref_squeeze %dma_start3A_29 : memref<1x!tpu.dma_semaphore, #tpu.memory_space<semaphore_mem>> -> memref<!tpu.dma_semaphore, #tpu.memory_space<semaphore_mem>>
    %dma_start3A_31 = arith.constant 256 : i32
    %dma_start3A_32 = tpu.memref_slice %arg6[%dma_start3A_31] : memref<1024xi32, #tpu.memory_space<vmem>> -> memref<128xi32, #tpu.memory_space<vmem>>
    %dma_start3A_33 = tpu.memref_slice %arg2[%add3A_24] : memref<819200xi32, #tpu.memory_space<hbm>> -> memref<128xi32, #tpu.memory_space<hbm>>
    tpu.enqueue_dma source(%dma_start3A_33 : memref<128xi32, #tpu.memory_space<hbm>>) target(%dma_start3A_32 : memref<128xi32, #tpu.memory_space<vmem>>) target_semaphore(%dma_start3A_30 : memref<!tpu.dma_semaphore, #tpu.memory_space<semaphore_mem>>)
    %add3A_34 = arith.constant 4096 : i32
    %add3A_35 = arith.addi %add3A_34, %mul3A_2 : i32
    %dma_wait3A_36 = arith.constant 1 : i32
    %dma_wait3A_37 = arith.constant 256 : i32
    %dma_wait3A_38 = tpu.memref_slice %arg6[%dma_wait3A_37] : memref<1024xi32, #tpu.memory_space<vmem>> -> memref<128xi32, #tpu.memory_space<vmem>>
    %dma_wait3A_39 = tpu.memref_slice %arg2[%add3A_35] : memref<819200xi32, #tpu.memory_space<hbm>> -> memref<128xi32, #tpu.memory_space<hbm>>
    %dma_wait3A_40 = tpu.memref_slice %arg10[%dma_wait3A_36] : memref<4x!tpu.dma_semaphore, #tpu.memory_space<semaphore_mem>> -> memref<1x!tpu.dma_semaphore, #tpu.memory_space<semaphore_mem>>
    %dma_wait3A_41 = tpu.memref_squeeze %dma_wait3A_40 : memref<1x!tpu.dma_semaphore, #tpu.memory_space<semaphore_mem>> -> memref<!tpu.dma_semaphore, #tpu.memory_space<semaphore_mem>>
    %dma_wait3A_42 = arith.constant 256 : i32
    %dma_wait3A_43 = tpu.memref_slice %arg6[%dma_wait3A_42] : memref<1024xi32, #tpu.memory_space<vmem>> -> memref<128xi32, #tpu.memory_space<vmem>>
    %dma_wait3A_44 = tpu.memref_slice %arg2[%add3A_35] : memref<819200xi32, #tpu.memory_space<hbm>> -> memref<128xi32, #tpu.memory_space<hbm>>
    tpu.wait_dma2 semaphore(%dma_wait3A_41 : memref<!tpu.dma_semaphore, #tpu.memory_space<semaphore_mem>>) src(%dma_wait3A_44 : memref<128xi32, #tpu.memory_space<hbm>>) dst(%dma_wait3A_43 : memref<128xi32, #tpu.memory_space<vmem>>)
    %dma_start3A_45 = arith.constant 0 : i32
    %dma_start3A_46 = arith.constant 0 : i32
    %dma_start3A_47 = arith.constant 0 : i32
    %dma_start3A_48 = arith.constant 0 : i32
    %dma_start3A_49 = tpu.memref_slice %arg7[%dma_start3A_45, %dma_start3A_47, %dma_start3A_48] : memref<4x128x128xf32, #tpu.memory_space<vmem>> -> memref<1x128x128xf32, #tpu.memory_space<vmem>>
    %dma_start3A_50 = tpu.memref_squeeze %dma_start3A_49 : memref<1x128x128xf32, #tpu.memory_space<vmem>> -> memref<128x128xf32, #tpu.memory_space<vmem>>
    %dma_start3A_51 = arith.constant 0 : i32
    %dma_start3A_52 = tpu.memref_slice %arg6[%dma_start3A_51] : memref<1024xi32, #tpu.memory_space<vmem>> -> memref<128xi32, #tpu.memory_space<vmem>>
    %dma_start3A_53 = arith.constant 0 : i32
    %dma_start3A_54 = arith.constant 0 : i32
    %dma_start3A_55 = tpu.memref_slice %arg4[%dma_start3A_53, %dma_start3A_54] : memref<100000x128xf32, #tpu.memory_space<hbm>> -> memref<100000x128xf32, #tpu.memory_space<hbm>>
    %dma_start3A_56 = tpu.memref_slice %arg11[%dma_start3A_46] : memref<4x!tpu.dma_semaphore, #tpu.memory_space<semaphore_mem>> -> memref<1x!tpu.dma_semaphore, #tpu.memory_space<semaphore_mem>>
    %dma_start3A_57 = tpu.memref_squeeze %dma_start3A_56 : memref<1x!tpu.dma_semaphore, #tpu.memory_space<semaphore_mem>> -> memref<!tpu.dma_semaphore, #tpu.memory_space<semaphore_mem>>
    tpu.enqueue_indirect_dma source(%dma_start3A_55 : memref<100000x128xf32, #tpu.memory_space<hbm>>) target(%dma_start3A_50 : memref<128x128xf32, #tpu.memory_space<vmem>>) offsets(%dma_start3A_52 : memref<128xi32, #tpu.memory_space<vmem>>) semaphore(%dma_start3A_57 : memref<!tpu.dma_semaphore, #tpu.memory_space<semaphore_mem>>)
    %dma_start3A_58 = arith.constant 1 : i32
    %dma_start3A_59 = arith.constant 1 : i32
    %dma_start3A_60 = arith.constant 0 : i32
    %dma_start3A_61 = arith.constant 0 : i32
    %dma_start3A_62 = tpu.memref_slice %arg7[%dma_start3A_58, %dma_start3A_60, %dma_start3A_61] : memref<4x128x128xf32, #tpu.memory_space<vmem>> -> memref<1x128x128xf32, #tpu.memory_space<vmem>>
    %dma_start3A_63 = tpu.memref_squeeze %dma_start3A_62 : memref<1x128x128xf32, #tpu.memory_space<vmem>> -> memref<128x128xf32, #tpu.memory_space<vmem>>
    %dma_start3A_64 = arith.constant 256 : i32
    %dma_start3A_65 = tpu.memref_slice %arg6[%dma_start3A_64] : memref<1024xi32, #tpu.memory_space<vmem>> -> memref<128xi32, #tpu.memory_space<vmem>>
    %dma_start3A_66 = arith.constant 0 : i32
    %dma_start3A_67 = arith.constant 0 : i32
    %dma_start3A_68 = tpu.memref_slice %arg4[%dma_start3A_66, %dma_start3A_67] : memref<100000x128xf32, #tpu.memory_space<hbm>> -> memref<100000x128xf32, #tpu.memory_space<hbm>>
    %dma_start3A_69 = tpu.memref_slice %arg11[%dma_start3A_59] : memref<4x!tpu.dma_semaphore, #tpu.memory_space<semaphore_mem>> -> memref<1x!tpu.dma_semaphore, #tpu.memory_space<semaphore_mem>>
    %dma_start3A_70 = tpu.memref_squeeze %dma_start3A_69 : memref<1x!tpu.dma_semaphore, #tpu.memory_space<semaphore_mem>> -> memref<!tpu.dma_semaphore, #tpu.memory_space<semaphore_mem>>
    tpu.enqueue_indirect_dma source(%dma_start3A_68 : memref<100000x128xf32, #tpu.memory_space<hbm>>) target(%dma_start3A_63 : memref<128x128xf32, #tpu.memory_space<vmem>>) offsets(%dma_start3A_65 : memref<128xi32, #tpu.memory_space<vmem>>) semaphore(%dma_start3A_70 : memref<!tpu.dma_semaphore, #tpu.memory_space<semaphore_mem>>)
    %add3A_71 = arith.constant 8192 : i32
    %add3A_72 = arith.addi %add3A_71, %mul3A_2 : i32
    %dma_start3A_73 = arith.constant 2 : i32
    %dma_start3A_74 = arith.constant 512 : i32
    %dma_start3A_75 = tpu.memref_slice %arg6[%dma_start3A_74] : memref<1024xi32, #tpu.memory_space<vmem>> -> memref<128xi32, #tpu.memory_space<vmem>>
    %dma_start3A_76 = tpu.memref_slice %arg2[%add3A_72] : memref<819200xi32, #tpu.memory_space<hbm>> -> memref<128xi32, #tpu.memory_space<hbm>>
    %dma_start3A_77 = tpu.memref_slice %arg10[%dma_start3A_73] : memref<4x!tpu.dma_semaphore, #tpu.memory_space<semaphore_mem>> -> memref<1x!tpu.dma_semaphore, #tpu.memory_space<semaphore_mem>>
    %dma_start3A_78 = tpu.memref_squeeze %dma_start3A_77 : memref<1x!tpu.dma_semaphore, #tpu.memory_space<semaphore_mem>> -> memref<!tpu.dma_semaphore, #tpu.memory_space<semaphore_mem>>
    %dma_start3A_79 = arith.constant 512 : i32
    %dma_start3A_80 = tpu.memref_slice %arg6[%dma_start3A_79] : memref<1024xi32, #tpu.memory_space<vmem>> -> memref<128xi32, #tpu.memory_space<vmem>>
    %dma_start3A_81 = tpu.memref_slice %arg2[%add3A_72] : memref<819200xi32, #tpu.memory_space<hbm>> -> memref<128xi32, #tpu.memory_space<hbm>>
    tpu.enqueue_dma source(%dma_start3A_81 : memref<128xi32, #tpu.memory_space<hbm>>) target(%dma_start3A_80 : memref<128xi32, #tpu.memory_space<vmem>>) target_semaphore(%dma_start3A_78 : memref<!tpu.dma_semaphore, #tpu.memory_space<semaphore_mem>>)
    %add3A_82 = arith.constant 12288 : i32
    %add3A_83 = arith.addi %add3A_82, %mul3A_2 : i32
    %dma_start3A_84 = arith.constant 3 : i32
    %dma_start3A_85 = arith.constant 768 : i32
    %dma_start3A_86 = tpu.memref_slice %arg6[%dma_start3A_85] : memref<1024xi32, #tpu.memory_space<vmem>> -> memref<128xi32, #tpu.memory_space<vmem>>
    %dma_start3A_87 = tpu.memref_slice %arg2[%add3A_83] : memref<819200xi32, #tpu.memory_space<hbm>> -> memref<128xi32, #tpu.memory_space<hbm>>
    %dma_start3A_88 = tpu.memref_slice %arg10[%dma_start3A_84] : memref<4x!tpu.dma_semaphore, #tpu.memory_space<semaphore_mem>> -> memref<1x!tpu.dma_semaphore, #tpu.memory_space<semaphore_mem>>
    %dma_start3A_89 = tpu.memref_squeeze %dma_start3A_88 : memref<1x!tpu.dma_semaphore, #tpu.memory_space<semaphore_mem>> -> memref<!tpu.dma_semaphore, #tpu.memory_space<semaphore_mem>>
    %dma_start3A_90 = arith.constant 768 : i32
    %dma_start3A_91 = tpu.memref_slice %arg6[%dma_start3A_90] : memref<1024xi32, #tpu.memory_space<vmem>> -> memref<128xi32, #tpu.memory_space<vmem>>
    %dma_start3A_92 = tpu.memref_slice %arg2[%add3A_83] : memref<819200xi32, #tpu.memory_space<hbm>> -> memref<128xi32, #tpu.memory_space<hbm>>
    tpu.enqueue_dma source(%dma_start3A_92 : memref<128xi32, #tpu.memory_space<hbm>>) target(%dma_start3A_91 : memref<128xi32, #tpu.memory_space<vmem>>) target_semaphore(%dma_start3A_89 : memref<!tpu.dma_semaphore, #tpu.memory_space<semaphore_mem>>)
    %scan3A = arith.constant 0 : i32
    %scan3A_93 = arith.constant 0 : i32
    %scan3A_94 = arith.constant 50 : i32
    %scan3A_95 = arith.addi %scan3A_93, %scan3A_94 : i32
    %scan3A_96 = arith.constant 1 : i32
    scf.for %scan3A_130 = %scan3A_93 to %scan3A_95 step %scan3A_96  : i32 {
      %mul3A_131 = arith.constant 2 : i32
      %mul3A_132 = arith.muli %scan3A_130, %mul3A_131 : i32
      %add3A_133 = arith.constant 0 : i32
      %add3A_134 = arith.addi %mul3A_132, %add3A_133 : i32
      %dma_wait3A_135 = arith.constant 0 : i32
      %dma_wait3A_136 = arith.constant 0 : i32
      %dma_wait3A_137 = arith.constant 0 : i32
      %dma_wait3A_138 = arith.constant 0 : i32
      %dma_wait3A_139 = tpu.memref_slice %arg7[%dma_wait3A_135, %dma_wait3A_137, %dma_wait3A_138] : memref<4x128x128xf32, #tpu.memory_space<vmem>> -> memref<1x128x128xf32, #tpu.memory_space<vmem>>
      %dma_wait3A_140 = tpu.memref_squeeze %dma_wait3A_139 : memref<1x128x128xf32, #tpu.memory_space<vmem>> -> memref<128x128xf32, #tpu.memory_space<vmem>>
      %dma_wait3A_141 = arith.constant 0 : i32
      %dma_wait3A_142 = tpu.memref_slice %arg6[%dma_wait3A_141] : memref<1024xi32, #tpu.memory_space<vmem>> -> memref<128xi32, #tpu.memory_space<vmem>>
      %dma_wait3A_143 = arith.constant 0 : i32
      %dma_wait3A_144 = arith.constant 0 : i32
      %dma_wait3A_145 = tpu.memref_slice %arg4[%dma_wait3A_143, %dma_wait3A_144] : memref<100000x128xf32, #tpu.memory_space<hbm>> -> memref<100000x128xf32, #tpu.memory_space<hbm>>
      %dma_wait3A_146 = tpu.memref_slice %arg11[%dma_wait3A_136] : memref<4x!tpu.dma_semaphore, #tpu.memory_space<semaphore_mem>> -> memref<1x!tpu.dma_semaphore, #tpu.memory_space<semaphore_mem>>
      %dma_wait3A_147 = tpu.memref_squeeze %dma_wait3A_146 : memref<1x!tpu.dma_semaphore, #tpu.memory_space<semaphore_mem>> -> memref<!tpu.dma_semaphore, #tpu.memory_space<semaphore_mem>>
      tpu.wait_indirect_dma semaphore(%dma_wait3A_147 : memref<!tpu.dma_semaphore, #tpu.memory_space<semaphore_mem>>) src(%dma_wait3A_145 : memref<100000x128xf32, #tpu.memory_space<hbm>>) dst(%dma_wait3A_140 : memref<128x128xf32, #tpu.memory_space<vmem>>)
      %dma_wait3A_148 = arith.constant 1 : i32
      %dma_wait3A_149 = arith.constant 1 : i32
      %dma_wait3A_150 = arith.constant 0 : i32
      %dma_wait3A_151 = arith.constant 0 : i32
      %dma_wait3A_152 = tpu.memref_slice %arg7[%dma_wait3A_148, %dma_wait3A_150, %dma_wait3A_151] : memref<4x128x128xf32, #tpu.memory_space<vmem>> -> memref<1x128x128xf32, #tpu.memory_space<vmem>>
      %dma_wait3A_153 = tpu.memref_squeeze %dma_wait3A_152 : memref<1x128x128xf32, #tpu.memory_space<vmem>> -> memref<128x128xf32, #tpu.memory_space<vmem>>
      %dma_wait3A_154 = arith.constant 256 : i32
      %dma_wait3A_155 = tpu.memref_slice %arg6[%dma_wait3A_154] : memref<1024xi32, #tpu.memory_space<vmem>> -> memref<128xi32, #tpu.memory_space<vmem>>
      %dma_wait3A_156 = arith.constant 0 : i32
      %dma_wait3A_157 = arith.constant 0 : i32
      %dma_wait3A_158 = tpu.memref_slice %arg4[%dma_wait3A_156, %dma_wait3A_157] : memref<100000x128xf32, #tpu.memory_space<hbm>> -> memref<100000x128xf32, #tpu.memory_space<hbm>>
      %dma_wait3A_159 = tpu.memref_slice %arg11[%dma_wait3A_149] : memref<4x!tpu.dma_semaphore, #tpu.memory_space<semaphore_mem>> -> memref<1x!tpu.dma_semaphore, #tpu.memory_space<semaphore_mem>>
      %dma_wait3A_160 = tpu.memref_squeeze %dma_wait3A_159 : memref<1x!tpu.dma_semaphore, #tpu.memory_space<semaphore_mem>> -> memref<!tpu.dma_semaphore, #tpu.memory_space<semaphore_mem>>
      tpu.wait_indirect_dma semaphore(%dma_wait3A_160 : memref<!tpu.dma_semaphore, #tpu.memory_space<semaphore_mem>>) src(%dma_wait3A_158 : memref<100000x128xf32, #tpu.memory_space<hbm>>) dst(%dma_wait3A_153 : memref<128x128xf32, #tpu.memory_space<vmem>>)
      %sub3A = arith.constant 2 : i32
      %sub3A_161 = arith.subi %add3A_134, %sub3A : i32
      %ge3A = arith.constant 0 : i32
      %ge3A_162 = arith.cmpi sge, %sub3A_161, %ge3A : i32
      %convert_element_type3A = arith.extui %ge3A_162 : i1 to i32
      %cond3A = arith.constant 0 : i32
      %cond3A_163 = arith.cmpi ne, %convert_element_type3A, %cond3A : i32
      scf.if %cond3A_163 {
        %sub3A_415 = arith.constant 2 : i32
        %sub3A_416 = arith.subi %add3A_134, %sub3A_415 : i32
        %mul3A_417 = arith.constant 128 : i32
        %mul3A_418 = arith.muli %sub3A_416, %mul3A_417 : i32
        %dma_wait3A_419 = arith.constant 0 : i32
        %dma_wait3A_420 = arith.constant 0 : i32
        %dma_wait3A_421 = arith.constant 0 : i32
        %dma_wait3A_422 = arith.constant 0 : i32
        %dma_wait3A_423 = tpu.memref_slice %arg8[%dma_wait3A_419, %dma_wait3A_421, %dma_wait3A_422] : memref<2x128x128xf32, #tpu.memory_space<vmem>> -> memref<1x128x128xf32, #tpu.memory_space<vmem>>
        %dma_wait3A_424 = tpu.memref_squeeze %dma_wait3A_423 : memref<1x128x128xf32, #tpu.memory_space<vmem>> -> memref<128x128xf32, #tpu.memory_space<vmem>>
        %dma_wait3A_425 = tpu.memref_slice %arg5[%mul3A_2, %mul3A_418] : memref<4096x12800xf32, #tpu.memory_space<hbm>> -> memref<128x128xf32, #tpu.memory_space<hbm>>
        %dma_wait3A_426 = tpu.memref_slice %arg12[%dma_wait3A_420] : memref<2x!tpu.dma_semaphore, #tpu.memory_space<semaphore_mem>> -> memref<1x!tpu.dma_semaphore, #tpu.memory_space<semaphore_mem>>
        %dma_wait3A_427 = tpu.memref_squeeze %dma_wait3A_426 : memref<1x!tpu.dma_semaphore, #tpu.memory_space<semaphore_mem>> -> memref<!tpu.dma_semaphore, #tpu.memory_space<semaphore_mem>>
        %dma_wait3A_428 = tpu.memref_slice %arg5[%mul3A_2, %mul3A_418] : memref<4096x12800xf32, #tpu.memory_space<hbm>> -> memref<128x128xf32, #tpu.memory_space<hbm>>
        %dma_wait3A_429 = arith.constant 0 : i32
        %dma_wait3A_430 = arith.constant 0 : i32
        %dma_wait3A_431 = tpu.memref_slice %arg8[%dma_wait3A_419, %dma_wait3A_429, %dma_wait3A_430] : memref<2x128x128xf32, #tpu.memory_space<vmem>> -> memref<1x128x128xf32, #tpu.memory_space<vmem>>
        %dma_wait3A_432 = tpu.memref_squeeze %dma_wait3A_431 : memref<1x128x128xf32, #tpu.memory_space<vmem>> -> memref<128x128xf32, #tpu.memory_space<vmem>>
        tpu.wait_dma2 semaphore(%dma_wait3A_427 : memref<!tpu.dma_semaphore, #tpu.memory_space<semaphore_mem>>) src(%dma_wait3A_432 : memref<128x128xf32, #tpu.memory_space<vmem>>) dst(%dma_wait3A_428 : memref<128x128xf32, #tpu.memory_space<hbm>>)
      } else {
      }
      %add3A_164 = arith.constant 1 : i32
      %add3A_165 = arith.addi %add3A_134, %add3A_164 : i32
      %le3A = arith.constant 99 : i32
      %le3A_166 = arith.cmpi sle, %add3A_165, %le3A : i32
      %convert_element_type3A_167 = arith.extui %le3A_166 : i1 to i32
      %cond3A_168 = arith.constant 0 : i32
      %cond3A_169 = arith.cmpi ne, %convert_element_type3A_167, %cond3A_168 : i32
      scf.if %cond3A_169 {
        %mul3A_415 = arith.constant 2 : i32
        %mul3A_416 = arith.muli %mul3A_415, %add3A_134 : i32
        %add3A_417 = arith.constant 2 : i32
        %add3A_418 = arith.addi %mul3A_416, %add3A_417 : i32
        %mul3A_419 = arith.constant 4096 : i32
        %mul3A_420 = arith.muli %add3A_418, %mul3A_419 : i32
        %add3A_421 = arith.addi %mul3A_420, %mul3A_2 : i32
        %dma_wait3A_422 = arith.constant 2 : i32
        %dma_wait3A_423 = arith.constant 512 : i32
        %dma_wait3A_424 = tpu.memref_slice %arg6[%dma_wait3A_423] : memref<1024xi32, #tpu.memory_space<vmem>> -> memref<128xi32, #tpu.memory_space<vmem>>
        %dma_wait3A_425 = tpu.memref_slice %arg2[%add3A_421] : memref<819200xi32, #tpu.memory_space<hbm>> -> memref<128xi32, #tpu.memory_space<hbm>>
        %dma_wait3A_426 = tpu.memref_slice %arg10[%dma_wait3A_422] : memref<4x!tpu.dma_semaphore, #tpu.memory_space<semaphore_mem>> -> memref<1x!tpu.dma_semaphore, #tpu.memory_space<semaphore_mem>>
        %dma_wait3A_427 = tpu.memref_squeeze %dma_wait3A_426 : memref<1x!tpu.dma_semaphore, #tpu.memory_space<semaphore_mem>> -> memref<!tpu.dma_semaphore, #tpu.memory_space<semaphore_mem>>
        %dma_wait3A_428 = arith.constant 512 : i32
        %dma_wait3A_429 = tpu.memref_slice %arg6[%dma_wait3A_428] : memref<1024xi32, #tpu.memory_space<vmem>> -> memref<128xi32, #tpu.memory_space<vmem>>
        %dma_wait3A_430 = tpu.memref_slice %arg2[%add3A_421] : memref<819200xi32, #tpu.memory_space<hbm>> -> memref<128xi32, #tpu.memory_space<hbm>>
        tpu.wait_dma2 semaphore(%dma_wait3A_427 : memref<!tpu.dma_semaphore, #tpu.memory_space<semaphore_mem>>) src(%dma_wait3A_430 : memref<128xi32, #tpu.memory_space<hbm>>) dst(%dma_wait3A_429 : memref<128xi32, #tpu.memory_space<vmem>>)
        %mul3A_431 = arith.constant 2 : i32
        %mul3A_432 = arith.muli %mul3A_431, %add3A_134 : i32
        %add3A_433 = arith.constant 3 : i32
        %add3A_434 = arith.addi %mul3A_432, %add3A_433 : i32
        %mul3A_435 = arith.constant 4096 : i32
        %mul3A_436 = arith.muli %add3A_434, %mul3A_435 : i32
        %add3A_437 = arith.addi %mul3A_436, %mul3A_2 : i32
        %dma_wait3A_438 = arith.constant 3 : i32
        %dma_wait3A_439 = arith.constant 768 : i32
        %dma_wait3A_440 = tpu.memref_slice %arg6[%dma_wait3A_439] : memref<1024xi32, #tpu.memory_space<vmem>> -> memref<128xi32, #tpu.memory_space<vmem>>
        %dma_wait3A_441 = tpu.memref_slice %arg2[%add3A_437] : memref<819200xi32, #tpu.memory_space<hbm>> -> memref<128xi32, #tpu.memory_space<hbm>>
        %dma_wait3A_442 = tpu.memref_slice %arg10[%dma_wait3A_438] : memref<4x!tpu.dma_semaphore, #tpu.memory_space<semaphore_mem>> -> memref<1x!tpu.dma_semaphore, #tpu.memory_space<semaphore_mem>>
        %dma_wait3A_443 = tpu.memref_squeeze %dma_wait3A_442 : memref<1x!tpu.dma_semaphore, #tpu.memory_space<semaphore_mem>> -> memref<!tpu.dma_semaphore, #tpu.memory_space<semaphore_mem>>
        %dma_wait3A_444 = arith.constant 768 : i32
        %dma_wait3A_445 = tpu.memref_slice %arg6[%dma_wait3A_444] : memref<1024xi32, #tpu.memory_space<vmem>> -> memref<128xi32, #tpu.memory_space<vmem>>
        %dma_wait3A_446 = tpu.memref_slice %arg2[%add3A_437] : memref<819200xi32, #tpu.memory_space<hbm>> -> memref<128xi32, #tpu.memory_space<hbm>>
        tpu.wait_dma2 semaphore(%dma_wait3A_443 : memref<!tpu.dma_semaphore, #tpu.memory_space<semaphore_mem>>) src(%dma_wait3A_446 : memref<128xi32, #tpu.memory_space<hbm>>) dst(%dma_wait3A_445 : memref<128xi32, #tpu.memory_space<vmem>>)
        %dma_start3A_447 = arith.constant 2 : i32
        %dma_start3A_448 = arith.constant 2 : i32
        %dma_start3A_449 = arith.constant 0 : i32
        %dma_start3A_450 = arith.constant 0 : i32
        %dma_start3A_451 = tpu.memref_slice %arg7[%dma_start3A_447, %dma_start3A_449, %dma_start3A_450] : memref<4x128x128xf32, #tpu.memory_space<vmem>> -> memref<1x128x128xf32, #tpu.memory_space<vmem>>
        %dma_start3A_452 = tpu.memref_squeeze %dma_start3A_451 : memref<1x128x128xf32, #tpu.memory_space<vmem>> -> memref<128x128xf32, #tpu.memory_space<vmem>>
        %dma_start3A_453 = arith.constant 512 : i32
        %dma_start3A_454 = tpu.memref_slice %arg6[%dma_start3A_453] : memref<1024xi32, #tpu.memory_space<vmem>> -> memref<128xi32, #tpu.memory_space<vmem>>
        %dma_start3A_455 = arith.constant 0 : i32
        %dma_start3A_456 = arith.constant 0 : i32
        %dma_start3A_457 = tpu.memref_slice %arg4[%dma_start3A_455, %dma_start3A_456] : memref<100000x128xf32, #tpu.memory_space<hbm>> -> memref<100000x128xf32, #tpu.memory_space<hbm>>
        %dma_start3A_458 = tpu.memref_slice %arg11[%dma_start3A_448] : memref<4x!tpu.dma_semaphore, #tpu.memory_space<semaphore_mem>> -> memref<1x!tpu.dma_semaphore, #tpu.memory_space<semaphore_mem>>
        %dma_start3A_459 = tpu.memref_squeeze %dma_start3A_458 : memref<1x!tpu.dma_semaphore, #tpu.memory_space<semaphore_mem>> -> memref<!tpu.dma_semaphore, #tpu.memory_space<semaphore_mem>>
        tpu.enqueue_indirect_dma source(%dma_start3A_457 : memref<100000x128xf32, #tpu.memory_space<hbm>>) target(%dma_start3A_452 : memref<128x128xf32, #tpu.memory_space<vmem>>) offsets(%dma_start3A_454 : memref<128xi32, #tpu.memory_space<vmem>>) semaphore(%dma_start3A_459 : memref<!tpu.dma_semaphore, #tpu.memory_space<semaphore_mem>>)
        %dma_start3A_460 = arith.constant 3 : i32
        %dma_start3A_461 = arith.constant 3 : i32
        %dma_start3A_462 = arith.constant 0 : i32
        %dma_start3A_463 = arith.constant 0 : i32
        %dma_start3A_464 = tpu.memref_slice %arg7[%dma_start3A_460, %dma_start3A_462, %dma_start3A_463] : memref<4x128x128xf32, #tpu.memory_space<vmem>> -> memref<1x128x128xf32, #tpu.memory_space<vmem>>
        %dma_start3A_465 = tpu.memref_squeeze %dma_start3A_464 : memref<1x128x128xf32, #tpu.memory_space<vmem>> -> memref<128x128xf32, #tpu.memory_space<vmem>>
        %dma_start3A_466 = arith.constant 768 : i32
        %dma_start3A_467 = tpu.memref_slice %arg6[%dma_start3A_466] : memref<1024xi32, #tpu.memory_space<vmem>> -> memref<128xi32, #tpu.memory_space<vmem>>
        %dma_start3A_468 = arith.constant 0 : i32
        %dma_start3A_469 = arith.constant 0 : i32
        %dma_start3A_470 = tpu.memref_slice %arg4[%dma_start3A_468, %dma_start3A_469] : memref<100000x128xf32, #tpu.memory_space<hbm>> -> memref<100000x128xf32, #tpu.memory_space<hbm>>
        %dma_start3A_471 = tpu.memref_slice %arg11[%dma_start3A_461] : memref<4x!tpu.dma_semaphore, #tpu.memory_space<semaphore_mem>> -> memref<1x!tpu.dma_semaphore, #tpu.memory_space<semaphore_mem>>
        %dma_start3A_472 = tpu.memref_squeeze %dma_start3A_471 : memref<1x!tpu.dma_semaphore, #tpu.memory_space<semaphore_mem>> -> memref<!tpu.dma_semaphore, #tpu.memory_space<semaphore_mem>>
        tpu.enqueue_indirect_dma source(%dma_start3A_470 : memref<100000x128xf32, #tpu.memory_space<hbm>>) target(%dma_start3A_465 : memref<128x128xf32, #tpu.memory_space<vmem>>) offsets(%dma_start3A_467 : memref<128xi32, #tpu.memory_space<vmem>>) semaphore(%dma_start3A_472 : memref<!tpu.dma_semaphore, #tpu.memory_space<semaphore_mem>>)
      } else {
      }
      %add3A_170 = arith.constant 2 : i32
      %add3A_171 = arith.addi %add3A_134, %add3A_170 : i32
      %le3A_172 = arith.constant 99 : i32
      %le3A_173 = arith.cmpi sle, %add3A_171, %le3A_172 : i32
      %convert_element_type3A_174 = arith.extui %le3A_173 : i1 to i32
      %cond3A_175 = arith.constant 0 : i32
      %cond3A_176 = arith.cmpi ne, %convert_element_type3A_174, %cond3A_175 : i32
      scf.if %cond3A_176 {
        %mul3A_415 = arith.constant 2 : i32
        %mul3A_416 = arith.muli %mul3A_415, %add3A_134 : i32
        %add3A_417 = arith.constant 4 : i32
        %add3A_418 = arith.addi %mul3A_416, %add3A_417 : i32
        %mul3A_419 = arith.constant 4096 : i32
        %mul3A_420 = arith.muli %add3A_418, %mul3A_419 : i32
        %add3A_421 = arith.addi %mul3A_420, %mul3A_2 : i32
        %dma_start3A_422 = arith.constant 0 : i32
        %dma_start3A_423 = arith.constant 0 : i32
        %dma_start3A_424 = tpu.memref_slice %arg6[%dma_start3A_423] : memref<1024xi32, #tpu.memory_space<vmem>> -> memref<128xi32, #tpu.memory_space<vmem>>
        %dma_start3A_425 = tpu.memref_slice %arg2[%add3A_421] : memref<819200xi32, #tpu.memory_space<hbm>> -> memref<128xi32, #tpu.memory_space<hbm>>
        %dma_start3A_426 = tpu.memref_slice %arg10[%dma_start3A_422] : memref<4x!tpu.dma_semaphore, #tpu.memory_space<semaphore_mem>> -> memref<1x!tpu.dma_semaphore, #tpu.memory_space<semaphore_mem>>
        %dma_start3A_427 = tpu.memref_squeeze %dma_start3A_426 : memref<1x!tpu.dma_semaphore, #tpu.memory_space<semaphore_mem>> -> memref<!tpu.dma_semaphore, #tpu.memory_space<semaphore_mem>>
        %dma_start3A_428 = arith.constant 0 : i32
        %dma_start3A_429 = tpu.memref_slice %arg6[%dma_start3A_428] : memref<1024xi32, #tpu.memory_space<vmem>> -> memref<128xi32, #tpu.memory_space<vmem>>
        %dma_start3A_430 = tpu.memref_slice %arg2[%add3A_421] : memref<819200xi32, #tpu.memory_space<hbm>> -> memref<128xi32, #tpu.memory_space<hbm>>
        tpu.enqueue_dma source(%dma_start3A_430 : memref<128xi32, #tpu.memory_space<hbm>>) target(%dma_start3A_429 : memref<128xi32, #tpu.memory_space<vmem>>) target_semaphore(%dma_start3A_427 : memref<!tpu.dma_semaphore, #tpu.memory_space<semaphore_mem>>)
        %mul3A_431 = arith.constant 2 : i32
        %mul3A_432 = arith.muli %mul3A_431, %add3A_134 : i32
        %add3A_433 = arith.constant 5 : i32
        %add3A_434 = arith.addi %mul3A_432, %add3A_433 : i32
        %mul3A_435 = arith.constant 4096 : i32
        %mul3A_436 = arith.muli %add3A_434, %mul3A_435 : i32
        %add3A_437 = arith.addi %mul3A_436, %mul3A_2 : i32
        %dma_start3A_438 = arith.constant 1 : i32
        %dma_start3A_439 = arith.constant 256 : i32
        %dma_start3A_440 = tpu.memref_slice %arg6[%dma_start3A_439] : memref<1024xi32, #tpu.memory_space<vmem>> -> memref<128xi32, #tpu.memory_space<vmem>>
        %dma_start3A_441 = tpu.memref_slice %arg2[%add3A_437] : memref<819200xi32, #tpu.memory_space<hbm>> -> memref<128xi32, #tpu.memory_space<hbm>>
        %dma_start3A_442 = tpu.memref_slice %arg10[%dma_start3A_438] : memref<4x!tpu.dma_semaphore, #tpu.memory_space<semaphore_mem>> -> memref<1x!tpu.dma_semaphore, #tpu.memory_space<semaphore_mem>>
        %dma_start3A_443 = tpu.memref_squeeze %dma_start3A_442 : memref<1x!tpu.dma_semaphore, #tpu.memory_space<semaphore_mem>> -> memref<!tpu.dma_semaphore, #tpu.memory_space<semaphore_mem>>
        %dma_start3A_444 = arith.constant 256 : i32
        %dma_start3A_445 = tpu.memref_slice %arg6[%dma_start3A_444] : memref<1024xi32, #tpu.memory_space<vmem>> -> memref<128xi32, #tpu.memory_space<vmem>>
        %dma_start3A_446 = tpu.memref_slice %arg2[%add3A_437] : memref<819200xi32, #tpu.memory_space<hbm>> -> memref<128xi32, #tpu.memory_space<hbm>>
        tpu.enqueue_dma source(%dma_start3A_446 : memref<128xi32, #tpu.memory_space<hbm>>) target(%dma_start3A_445 : memref<128xi32, #tpu.memory_space<vmem>>) target_semaphore(%dma_start3A_443 : memref<!tpu.dma_semaphore, #tpu.memory_space<semaphore_mem>>)
      } else {
      }
      %mul3A_177 = arith.constant 2 : i32
      %mul3A_178 = arith.muli %mul3A_177, %add3A_134 : i32
      %mul3A_179 = arith.constant 64 : i32
      %mul3A_180 = arith.muli %mul3A_178, %mul3A_179 : i32
      %add3A_181 = arith.constant 0 : i32
      %add3A_182 = arith.addi %mul3A_180, %add3A_181 : i32
      %get3A = arith.index_cast %add3A_182 : i32 to index
      %get3A_183 = tpu.vector_load %arg9[%get3A] {strides = array<i32>} : memref<12800xf32, #tpu.memory_space<vmem>>, vector<16xf32>,
      %get3A_184 = vector.shape_cast %get3A_183 : vector<16xf32> to vector<16xf32>
      %mul3A_185 = arith.constant 2 : i32
      %mul3A_186 = arith.muli %mul3A_185, %add3A_134 : i32
      %mul3A_187 = arith.constant 64 : i32
      %mul3A_188 = arith.muli %mul3A_186, %mul3A_187 : i32
      %add3A_189 = arith.constant 16 : i32
      %add3A_190 = arith.addi %mul3A_188, %add3A_189 : i32
      %get3A_191 = arith.index_cast %add3A_190 : i32 to index
      %get3A_192 = tpu.vector_load %arg9[%get3A_191] {strides = array<i32>} : memref<12800xf32, #tpu.memory_space<vmem>>, vector<16xf32>,
      %get3A_193 = vector.shape_cast %get3A_192 : vector<16xf32> to vector<16xf32>
      %mul3A_194 = arith.constant 2 : i32
      %mul3A_195 = arith.muli %mul3A_194, %add3A_134 : i32
      %mul3A_196 = arith.constant 64 : i32
      %mul3A_197 = arith.muli %mul3A_195, %mul3A_196 : i32
      %add3A_198 = arith.constant 32 : i32
      %add3A_199 = arith.addi %mul3A_197, %add3A_198 : i32
      %get3A_200 = arith.index_cast %add3A_199 : i32 to index
      %get3A_201 = tpu.vector_load %arg9[%get3A_200] {strides = array<i32>} : memref<12800xf32, #tpu.memory_space<vmem>>, vector<16xf32>,
      %get3A_202 = vector.shape_cast %get3A_201 : vector<16xf32> to vector<16xf32>
      %mul3A_203 = arith.constant 2 : i32
      %mul3A_204 = arith.muli %mul3A_203, %add3A_134 : i32
      %mul3A_205 = arith.constant 64 : i32
      %mul3A_206 = arith.muli %mul3A_204, %mul3A_205 : i32
      %add3A_207 = arith.constant 48 : i32
      %add3A_208 = arith.addi %mul3A_206, %add3A_207 : i32
      %get3A_209 = arith.index_cast %add3A_208 : i32 to index
      %get3A_210 = tpu.vector_load %arg9[%get3A_209] {strides = array<i32>} : memref<12800xf32, #tpu.memory_space<vmem>>, vector<16xf32>,
      %get3A_211 = vector.shape_cast %get3A_210 : vector<16xf32> to vector<16xf32>
      %mul3A_212 = arith.constant 2 : i32
      %mul3A_213 = arith.muli %mul3A_212, %add3A_134 : i32
      %mul3A_214 = arith.constant 64 : i32
      %mul3A_215 = arith.muli %mul3A_213, %mul3A_214 : i32
      %add3A_216 = arith.constant 64 : i32
      %add3A_217 = arith.addi %mul3A_215, %add3A_216 : i32
      %get3A_218 = arith.index_cast %add3A_217 : i32 to index
      %get3A_219 = tpu.vector_load %arg9[%get3A_218] {strides = array<i32>} : memref<12800xf32, #tpu.memory_space<vmem>>, vector<16xf32>,
      %get3A_220 = vector.shape_cast %get3A_219 : vector<16xf32> to vector<16xf32>
      %mul3A_221 = arith.constant 2 : i32
      %mul3A_222 = arith.muli %mul3A_221, %add3A_134 : i32
      %mul3A_223 = arith.constant 64 : i32
      %mul3A_224 = arith.muli %mul3A_222, %mul3A_223 : i32
      %add3A_225 = arith.constant 80 : i32
      %add3A_226 = arith.addi %mul3A_224, %add3A_225 : i32
      %get3A_227 = arith.index_cast %add3A_226 : i32 to index
      %get3A_228 = tpu.vector_load %arg9[%get3A_227] {strides = array<i32>} : memref<12800xf32, #tpu.memory_space<vmem>>, vector<16xf32>,
      %get3A_229 = vector.shape_cast %get3A_228 : vector<16xf32> to vector<16xf32>
      %mul3A_230 = arith.constant 2 : i32
      %mul3A_231 = arith.muli %mul3A_230, %add3A_134 : i32
      %mul3A_232 = arith.constant 64 : i32
      %mul3A_233 = arith.muli %mul3A_231, %mul3A_232 : i32
      %add3A_234 = arith.constant 96 : i32
      %add3A_235 = arith.addi %mul3A_233, %add3A_234 : i32
      %get3A_236 = arith.index_cast %add3A_235 : i32 to index
      %get3A_237 = tpu.vector_load %arg9[%get3A_236] {strides = array<i32>} : memref<12800xf32, #tpu.memory_space<vmem>>, vector<16xf32>,
      %get3A_238 = vector.shape_cast %get3A_237 : vector<16xf32> to vector<16xf32>
      %mul3A_239 = arith.constant 2 : i32
      %mul3A_240 = arith.muli %mul3A_239, %add3A_134 : i32
      %mul3A_241 = arith.constant 64 : i32
      %mul3A_242 = arith.muli %mul3A_240, %mul3A_241 : i32
      %add3A_243 = arith.constant 112 : i32
      %add3A_244 = arith.addi %mul3A_242, %add3A_243 : i32
      %get3A_245 = arith.index_cast %add3A_244 : i32 to index
      %get3A_246 = tpu.vector_load %arg9[%get3A_245] {strides = array<i32>} : memref<12800xf32, #tpu.memory_space<vmem>>, vector<16xf32>,
      %get3A_247 = vector.shape_cast %get3A_246 : vector<16xf32> to vector<16xf32>
      %scan3A_248 = arith.constant 0 : i32
      %scan3A_249 = arith.constant 0 : i32
      %scan3A_250 = arith.constant 128 : i32
      %scan3A_251 = arith.addi %scan3A_249, %scan3A_250 : i32
      %scan3A_252 = arith.constant 2 : i32
      scf.for %scan3A_415 = %scan3A_249 to %scan3A_251 step %scan3A_252  : i32 {
        %get3A_416 = arith.constant 0 : i32
        %get3A_417 = arith.index_cast %get3A_416 : i32 to index
        %get3A_418 = arith.index_cast %scan3A_415 : i32 to index
        %get3A_419 = arith.constant 0 : index
        %get3A_420 = tpu.vector_load %arg7[%get3A_417, %get3A_418, %get3A_419] {strides = array<i32>} : memref<4x128x128xf32, #tpu.memory_space<vmem>>, vector<1x1x16xf32>,
        %get3A_421 = vector.shape_cast %get3A_420 : vector<1x1x16xf32> to vector<16xf32>
        %add3A_422 = arith.addf %get3A_421, %get3A_184 : vector<16xf32>
        %swap3A = arith.constant 0 : i32
        %swap3A_423 = arith.index_cast %swap3A : i32 to index
        %swap3A_424 = arith.index_cast %scan3A_415 : i32 to index
        %swap3A_425 = arith.constant 0 : index
        %swap3A_426 = tpu.vector_load %arg8[%swap3A_423, %swap3A_424, %swap3A_425] {strides = array<i32>} : memref<2x128x128xf32, #tpu.memory_space<vmem>>, vector<1x1x16xf32>,
        %swap3A_427 = vector.shape_cast %swap3A_426 : vector<1x1x16xf32> to vector<16xf32>
        %swap3A_428 = vector.shape_cast %add3A_422 : vector<16xf32> to vector<1x1x16xf32>
        tpu.vector_store %arg8[%swap3A_423, %swap3A_424, %swap3A_425], %swap3A_428 {strides = array<i32>} : memref<2x128x128xf32, #tpu.memory_space<vmem>>, vector<1x1x16xf32>,
        %get3A_429 = arith.constant 0 : i32
        %get3A_430 = arith.index_cast %get3A_429 : i32 to index
        %get3A_431 = arith.index_cast %scan3A_415 : i32 to index
        %get3A_432 = arith.constant 16 : index
        %get3A_433 = tpu.vector_load %arg7[%get3A_430, %get3A_431, %get3A_432] {strides = array<i32>} : memref<4x128x128xf32, #tpu.memory_space<vmem>>, vector<1x1x16xf32>,
        %get3A_434 = vector.shape_cast %get3A_433 : vector<1x1x16xf32> to vector<16xf32>
        %add3A_435 = arith.addf %get3A_434, %get3A_193 : vector<16xf32>
        %swap3A_436 = arith.constant 0 : i32
        %swap3A_437 = arith.index_cast %swap3A_436 : i32 to index
        %swap3A_438 = arith.index_cast %scan3A_415 : i32 to index
        %swap3A_439 = arith.constant 16 : index
        %swap3A_440 = tpu.vector_load %arg8[%swap3A_437, %swap3A_438, %swap3A_439] {strides = array<i32>} : memref<2x128x128xf32, #tpu.memory_space<vmem>>, vector<1x1x16xf32>,
        %swap3A_441 = vector.shape_cast %swap3A_440 : vector<1x1x16xf32> to vector<16xf32>
        %swap3A_442 = vector.shape_cast %add3A_435 : vector<16xf32> to vector<1x1x16xf32>
        tpu.vector_store %arg8[%swap3A_437, %swap3A_438, %swap3A_439], %swap3A_442 {strides = array<i32>} : memref<2x128x128xf32, #tpu.memory_space<vmem>>, vector<1x1x16xf32>,
        %get3A_443 = arith.constant 0 : i32
        %get3A_444 = arith.index_cast %get3A_443 : i32 to index
        %get3A_445 = arith.index_cast %scan3A_415 : i32 to index
        %get3A_446 = arith.constant 32 : index
        %get3A_447 = tpu.vector_load %arg7[%get3A_444, %get3A_445, %get3A_446] {strides = array<i32>} : memref<4x128x128xf32, #tpu.memory_space<vmem>>, vector<1x1x16xf32>,
        %get3A_448 = vector.shape_cast %get3A_447 : vector<1x1x16xf32> to vector<16xf32>
        %add3A_449 = arith.addf %get3A_448, %get3A_202 : vector<16xf32>
        %swap3A_450 = arith.constant 0 : i32
        %swap3A_451 = arith.index_cast %swap3A_450 : i32 to index
        %swap3A_452 = arith.index_cast %scan3A_415 : i32 to index
        %swap3A_453 = arith.constant 32 : index
        %swap3A_454 = tpu.vector_load %arg8[%swap3A_451, %swap3A_452, %swap3A_453] {strides = array<i32>} : memref<2x128x128xf32, #tpu.memory_space<vmem>>, vector<1x1x16xf32>,
        %swap3A_455 = vector.shape_cast %swap3A_454 : vector<1x1x16xf32> to vector<16xf32>
        %swap3A_456 = vector.shape_cast %add3A_449 : vector<16xf32> to vector<1x1x16xf32>
        tpu.vector_store %arg8[%swap3A_451, %swap3A_452, %swap3A_453], %swap3A_456 {strides = array<i32>} : memref<2x128x128xf32, #tpu.memory_space<vmem>>, vector<1x1x16xf32>,
        %get3A_457 = arith.constant 0 : i32
        %get3A_458 = arith.index_cast %get3A_457 : i32 to index
        %get3A_459 = arith.index_cast %scan3A_415 : i32 to index
        %get3A_460 = arith.constant 48 : index
        %get3A_461 = tpu.vector_load %arg7[%get3A_458, %get3A_459, %get3A_460] {strides = array<i32>} : memref<4x128x128xf32, #tpu.memory_space<vmem>>, vector<1x1x16xf32>,
        %get3A_462 = vector.shape_cast %get3A_461 : vector<1x1x16xf32> to vector<16xf32>
        %add3A_463 = arith.addf %get3A_462, %get3A_211 : vector<16xf32>
        %swap3A_464 = arith.constant 0 : i32
        %swap3A_465 = arith.index_cast %swap3A_464 : i32 to index
        %swap3A_466 = arith.index_cast %scan3A_415 : i32 to index
        %swap3A_467 = arith.constant 48 : index
        %swap3A_468 = tpu.vector_load %arg8[%swap3A_465, %swap3A_466, %swap3A_467] {strides = array<i32>} : memref<2x128x128xf32, #tpu.memory_space<vmem>>, vector<1x1x16xf32>,
        %swap3A_469 = vector.shape_cast %swap3A_468 : vector<1x1x16xf32> to vector<16xf32>
        %swap3A_470 = vector.shape_cast %add3A_463 : vector<16xf32> to vector<1x1x16xf32>
        tpu.vector_store %arg8[%swap3A_465, %swap3A_466, %swap3A_467], %swap3A_470 {strides = array<i32>} : memref<2x128x128xf32, #tpu.memory_space<vmem>>, vector<1x1x16xf32>,
        %get3A_471 = arith.constant 1 : i32
        %get3A_472 = arith.index_cast %get3A_471 : i32 to index
        %get3A_473 = arith.index_cast %scan3A_415 : i32 to index
        %get3A_474 = arith.constant 0 : index
        %get3A_475 = tpu.vector_load %arg7[%get3A_472, %get3A_473, %get3A_474] {strides = array<i32>} : memref<4x128x128xf32, #tpu.memory_space<vmem>>, vector<1x1x16xf32>,
        %get3A_476 = vector.shape_cast %get3A_475 : vector<1x1x16xf32> to vector<16xf32>
        %add3A_477 = arith.addf %get3A_476, %get3A_220 : vector<16xf32>
        %swap3A_478 = arith.constant 0 : i32
        %swap3A_479 = arith.index_cast %swap3A_478 : i32 to index
        %swap3A_480 = arith.index_cast %scan3A_415 : i32 to index
        %swap3A_481 = arith.constant 64 : index
        %swap3A_482 = tpu.vector_load %arg8[%swap3A_479, %swap3A_480, %swap3A_481] {strides = array<i32>} : memref<2x128x128xf32, #tpu.memory_space<vmem>>, vector<1x1x16xf32>,
        %swap3A_483 = vector.shape_cast %swap3A_482 : vector<1x1x16xf32> to vector<16xf32>
        %swap3A_484 = vector.shape_cast %add3A_477 : vector<16xf32> to vector<1x1x16xf32>
        tpu.vector_store %arg8[%swap3A_479, %swap3A_480, %swap3A_481], %swap3A_484 {strides = array<i32>} : memref<2x128x128xf32, #tpu.memory_space<vmem>>, vector<1x1x16xf32>,
        %get3A_485 = arith.constant 1 : i32
        %get3A_486 = arith.index_cast %get3A_485 : i32 to index
        %get3A_487 = arith.index_cast %scan3A_415 : i32 to index
        %get3A_488 = arith.constant 16 : index
        %get3A_489 = tpu.vector_load %arg7[%get3A_486, %get3A_487, %get3A_488] {strides = array<i32>} : memref<4x128x128xf32, #tpu.memory_space<vmem>>, vector<1x1x16xf32>,
        %get3A_490 = vector.shape_cast %get3A_489 : vector<1x1x16xf32> to vector<16xf32>
        %add3A_491 = arith.addf %get3A_490, %get3A_229 : vector<16xf32>
        %swap3A_492 = arith.constant 0 : i32
        %swap3A_493 = arith.index_cast %swap3A_492 : i32 to index
        %swap3A_494 = arith.index_cast %scan3A_415 : i32 to index
        %swap3A_495 = arith.constant 80 : index
        %swap3A_496 = tpu.vector_load %arg8[%swap3A_493, %swap3A_494, %swap3A_495] {strides = array<i32>} : memref<2x128x128xf32, #tpu.memory_space<vmem>>, vector<1x1x16xf32>,
        %swap3A_497 = vector.shape_cast %swap3A_496 : vector<1x1x16xf32> to vector<16xf32>
        %swap3A_498 = vector.shape_cast %add3A_491 : vector<16xf32> to vector<1x1x16xf32>
        tpu.vector_store %arg8[%swap3A_493, %swap3A_494, %swap3A_495], %swap3A_498 {strides = array<i32>} : memref<2x128x128xf32, #tpu.memory_space<vmem>>, vector<1x1x16xf32>,
        %get3A_499 = arith.constant 1 : i32
        %get3A_500 = arith.index_cast %get3A_499 : i32 to index
        %get3A_501 = arith.index_cast %scan3A_415 : i32 to index
        %get3A_502 = arith.constant 32 : index
        %get3A_503 = tpu.vector_load %arg7[%get3A_500, %get3A_501, %get3A_502] {strides = array<i32>} : memref<4x128x128xf32, #tpu.memory_space<vmem>>, vector<1x1x16xf32>,
        %get3A_504 = vector.shape_cast %get3A_503 : vector<1x1x16xf32> to vector<16xf32>
        %add3A_505 = arith.addf %get3A_504, %get3A_238 : vector<16xf32>
        %swap3A_506 = arith.constant 0 : i32
        %swap3A_507 = arith.index_cast %swap3A_506 : i32 to index
        %swap3A_508 = arith.index_cast %scan3A_415 : i32 to index
        %swap3A_509 = arith.constant 96 : index
        %swap3A_510 = tpu.vector_load %arg8[%swap3A_507, %swap3A_508, %swap3A_509] {strides = array<i32>} : memref<2x128x128xf32, #tpu.memory_space<vmem>>, vector<1x1x16xf32>,
        %swap3A_511 = vector.shape_cast %swap3A_510 : vector<1x1x16xf32> to vector<16xf32>
        %swap3A_512 = vector.shape_cast %add3A_505 : vector<16xf32> to vector<1x1x16xf32>
        tpu.vector_store %arg8[%swap3A_507, %swap3A_508, %swap3A_509], %swap3A_512 {strides = array<i32>} : memref<2x128x128xf32, #tpu.memory_space<vmem>>, vector<1x1x16xf32>,
        %get3A_513 = arith.constant 1 : i32
        %get3A_514 = arith.index_cast %get3A_513 : i32 to index
        %get3A_515 = arith.index_cast %scan3A_415 : i32 to index
        %get3A_516 = arith.constant 48 : index
        %get3A_517 = tpu.vector_load %arg7[%get3A_514, %get3A_515, %get3A_516] {strides = array<i32>} : memref<4x128x128xf32, #tpu.memory_space<vmem>>, vector<1x1x16xf32>,
        %get3A_518 = vector.shape_cast %get3A_517 : vector<1x1x16xf32> to vector<16xf32>
        %add3A_519 = arith.addf %get3A_518, %get3A_247 : vector<16xf32>
        %swap3A_520 = arith.constant 0 : i32
        %swap3A_521 = arith.index_cast %swap3A_520 : i32 to index
        %swap3A_522 = arith.index_cast %scan3A_415 : i32 to index
        %swap3A_523 = arith.constant 112 : index
        %swap3A_524 = tpu.vector_load %arg8[%swap3A_521, %swap3A_522, %swap3A_523] {strides = array<i32>} : memref<2x128x128xf32, #tpu.memory_space<vmem>>, vector<1x1x16xf32>,
        %swap3A_525 = vector.shape_cast %swap3A_524 : vector<1x1x16xf32> to vector<16xf32>
        %swap3A_526 = vector.shape_cast %add3A_519 : vector<16xf32> to vector<1x1x16xf32>
        tpu.vector_store %arg8[%swap3A_521, %swap3A_522, %swap3A_523], %swap3A_526 {strides = array<i32>} : memref<2x128x128xf32, #tpu.memory_space<vmem>>, vector<1x1x16xf32>,
        %scan3A_527 = arith.constant 1 : i32
        %scan3A_528 = arith.addi %scan3A_415, %scan3A_527 : i32
        %get3A_529 = arith.constant 0 : i32
        %get3A_530 = arith.index_cast %get3A_529 : i32 to index
        %get3A_531 = arith.index_cast %scan3A_528 : i32 to index
        %get3A_532 = arith.constant 0 : index
        %get3A_533 = tpu.vector_load %arg7[%get3A_530, %get3A_531, %get3A_532] {strides = array<i32>} : memref<4x128x128xf32, #tpu.memory_space<vmem>>, vector<1x1x16xf32>,
        %get3A_534 = vector.shape_cast %get3A_533 : vector<1x1x16xf32> to vector<16xf32>
        %add3A_535 = arith.addf %get3A_534, %get3A_184 : vector<16xf32>
        %swap3A_536 = arith.constant 0 : i32
        %swap3A_537 = arith.index_cast %swap3A_536 : i32 to index
        %swap3A_538 = arith.index_cast %scan3A_528 : i32 to index
        %swap3A_539 = arith.constant 0 : index
        %swap3A_540 = tpu.vector_load %arg8[%swap3A_537, %swap3A_538, %swap3A_539] {strides = array<i32>} : memref<2x128x128xf32, #tpu.memory_space<vmem>>, vector<1x1x16xf32>,
        %swap3A_541 = vector.shape_cast %swap3A_540 : vector<1x1x16xf32> to vector<16xf32>
        %swap3A_542 = vector.shape_cast %add3A_535 : vector<16xf32> to vector<1x1x16xf32>
        tpu.vector_store %arg8[%swap3A_537, %swap3A_538, %swap3A_539], %swap3A_542 {strides = array<i32>} : memref<2x128x128xf32, #tpu.memory_space<vmem>>, vector<1x1x16xf32>,
        %get3A_543 = arith.constant 0 : i32
        %get3A_544 = arith.index_cast %get3A_543 : i32 to index
        %get3A_545 = arith.index_cast %scan3A_528 : i32 to index
        %get3A_546 = arith.constant 16 : index
        %get3A_547 = tpu.vector_load %arg7[%get3A_544, %get3A_545, %get3A_546] {strides = array<i32>} : memref<4x128x128xf32, #tpu.memory_space<vmem>>, vector<1x1x16xf32>,
        %get3A_548 = vector.shape_cast %get3A_547 : vector<1x1x16xf32> to vector<16xf32>
        %add3A_549 = arith.addf %get3A_548, %get3A_193 : vector<16xf32>
        %swap3A_550 = arith.constant 0 : i32
        %swap3A_551 = arith.index_cast %swap3A_550 : i32 to index
        %swap3A_552 = arith.index_cast %scan3A_528 : i32 to index
        %swap3A_553 = arith.constant 16 : index
        %swap3A_554 = tpu.vector_load %arg8[%swap3A_551, %swap3A_552, %swap3A_553] {strides = array<i32>} : memref<2x128x128xf32, #tpu.memory_space<vmem>>, vector<1x1x16xf32>,
        %swap3A_555 = vector.shape_cast %swap3A_554 : vector<1x1x16xf32> to vector<16xf32>
        %swap3A_556 = vector.shape_cast %add3A_549 : vector<16xf32> to vector<1x1x16xf32>
        tpu.vector_store %arg8[%swap3A_551, %swap3A_552, %swap3A_553], %swap3A_556 {strides = array<i32>} : memref<2x128x128xf32, #tpu.memory_space<vmem>>, vector<1x1x16xf32>,
        %get3A_557 = arith.constant 0 : i32
        %get3A_558 = arith.index_cast %get3A_557 : i32 to index
        %get3A_559 = arith.index_cast %scan3A_528 : i32 to index
        %get3A_560 = arith.constant 32 : index
        %get3A_561 = tpu.vector_load %arg7[%get3A_558, %get3A_559, %get3A_560] {strides = array<i32>} : memref<4x128x128xf32, #tpu.memory_space<vmem>>, vector<1x1x16xf32>,
        %get3A_562 = vector.shape_cast %get3A_561 : vector<1x1x16xf32> to vector<16xf32>
        %add3A_563 = arith.addf %get3A_562, %get3A_202 : vector<16xf32>
        %swap3A_564 = arith.constant 0 : i32
        %swap3A_565 = arith.index_cast %swap3A_564 : i32 to index
        %swap3A_566 = arith.index_cast %scan3A_528 : i32 to index
        %swap3A_567 = arith.constant 32 : index
        %swap3A_568 = tpu.vector_load %arg8[%swap3A_565, %swap3A_566, %swap3A_567] {strides = array<i32>} : memref<2x128x128xf32, #tpu.memory_space<vmem>>, vector<1x1x16xf32>,
        %swap3A_569 = vector.shape_cast %swap3A_568 : vector<1x1x16xf32> to vector<16xf32>
        %swap3A_570 = vector.shape_cast %add3A_563 : vector<16xf32> to vector<1x1x16xf32>
        tpu.vector_store %arg8[%swap3A_565, %swap3A_566, %swap3A_567], %swap3A_570 {strides = array<i32>} : memref<2x128x128xf32, #tpu.memory_space<vmem>>, vector<1x1x16xf32>,
        %get3A_571 = arith.constant 0 : i32
        %get3A_572 = arith.index_cast %get3A_571 : i32 to index
        %get3A_573 = arith.index_cast %scan3A_528 : i32 to index
        %get3A_574 = arith.constant 48 : index
        %get3A_575 = tpu.vector_load %arg7[%get3A_572, %get3A_573, %get3A_574] {strides = array<i32>} : memref<4x128x128xf32, #tpu.memory_space<vmem>>, vector<1x1x16xf32>,
        %get3A_576 = vector.shape_cast %get3A_575 : vector<1x1x16xf32> to vector<16xf32>
        %add3A_577 = arith.addf %get3A_576, %get3A_211 : vector<16xf32>
        %swap3A_578 = arith.constant 0 : i32
        %swap3A_579 = arith.index_cast %swap3A_578 : i32 to index
        %swap3A_580 = arith.index_cast %scan3A_528 : i32 to index
        %swap3A_581 = arith.constant 48 : index
        %swap3A_582 = tpu.vector_load %arg8[%swap3A_579, %swap3A_580, %swap3A_581] {strides = array<i32>} : memref<2x128x128xf32, #tpu.memory_space<vmem>>, vector<1x1x16xf32>,
        %swap3A_583 = vector.shape_cast %swap3A_582 : vector<1x1x16xf32> to vector<16xf32>
        %swap3A_584 = vector.shape_cast %add3A_577 : vector<16xf32> to vector<1x1x16xf32>
        tpu.vector_store %arg8[%swap3A_579, %swap3A_580, %swap3A_581], %swap3A_584 {strides = array<i32>} : memref<2x128x128xf32, #tpu.memory_space<vmem>>, vector<1x1x16xf32>,
        %get3A_585 = arith.constant 1 : i32
        %get3A_586 = arith.index_cast %get3A_585 : i32 to index
        %get3A_587 = arith.index_cast %scan3A_528 : i32 to index
        %get3A_588 = arith.constant 0 : index
        %get3A_589 = tpu.vector_load %arg7[%get3A_586, %get3A_587, %get3A_588] {strides = array<i32>} : memref<4x128x128xf32, #tpu.memory_space<vmem>>, vector<1x1x16xf32>,
        %get3A_590 = vector.shape_cast %get3A_589 : vector<1x1x16xf32> to vector<16xf32>
        %add3A_591 = arith.addf %get3A_590, %get3A_220 : vector<16xf32>
        %swap3A_592 = arith.constant 0 : i32
        %swap3A_593 = arith.index_cast %swap3A_592 : i32 to index
        %swap3A_594 = arith.index_cast %scan3A_528 : i32 to index
        %swap3A_595 = arith.constant 64 : index
        %swap3A_596 = tpu.vector_load %arg8[%swap3A_593, %swap3A_594, %swap3A_595] {strides = array<i32>} : memref<2x128x128xf32, #tpu.memory_space<vmem>>, vector<1x1x16xf32>,
        %swap3A_597 = vector.shape_cast %swap3A_596 : vector<1x1x16xf32> to vector<16xf32>
        %swap3A_598 = vector.shape_cast %add3A_591 : vector<16xf32> to vector<1x1x16xf32>
        tpu.vector_store %arg8[%swap3A_593, %swap3A_594, %swap3A_595], %swap3A_598 {strides = array<i32>} : memref<2x128x128xf32, #tpu.memory_space<vmem>>, vector<1x1x16xf32>,
        %get3A_599 = arith.constant 1 : i32
        %get3A_600 = arith.index_cast %get3A_599 : i32 to index
        %get3A_601 = arith.index_cast %scan3A_528 : i32 to index
        %get3A_602 = arith.constant 16 : index
        %get3A_603 = tpu.vector_load %arg7[%get3A_600, %get3A_601, %get3A_602] {strides = array<i32>} : memref<4x128x128xf32, #tpu.memory_space<vmem>>, vector<1x1x16xf32>,
        %get3A_604 = vector.shape_cast %get3A_603 : vector<1x1x16xf32> to vector<16xf32>
        %add3A_605 = arith.addf %get3A_604, %get3A_229 : vector<16xf32>
        %swap3A_606 = arith.constant 0 : i32
        %swap3A_607 = arith.index_cast %swap3A_606 : i32 to index
        %swap3A_608 = arith.index_cast %scan3A_528 : i32 to index
        %swap3A_609 = arith.constant 80 : index
        %swap3A_610 = tpu.vector_load %arg8[%swap3A_607, %swap3A_608, %swap3A_609] {strides = array<i32>} : memref<2x128x128xf32, #tpu.memory_space<vmem>>, vector<1x1x16xf32>,
        %swap3A_611 = vector.shape_cast %swap3A_610 : vector<1x1x16xf32> to vector<16xf32>
        %swap3A_612 = vector.shape_cast %add3A_605 : vector<16xf32> to vector<1x1x16xf32>
        tpu.vector_store %arg8[%swap3A_607, %swap3A_608, %swap3A_609], %swap3A_612 {strides = array<i32>} : memref<2x128x128xf32, #tpu.memory_space<vmem>>, vector<1x1x16xf32>,
        %get3A_613 = arith.constant 1 : i32
        %get3A_614 = arith.index_cast %get3A_613 : i32 to index
        %get3A_615 = arith.index_cast %scan3A_528 : i32 to index
        %get3A_616 = arith.constant 32 : index
        %get3A_617 = tpu.vector_load %arg7[%get3A_614, %get3A_615, %get3A_616] {strides = array<i32>} : memref<4x128x128xf32, #tpu.memory_space<vmem>>, vector<1x1x16xf32>,
        %get3A_618 = vector.shape_cast %get3A_617 : vector<1x1x16xf32> to vector<16xf32>
        %add3A_619 = arith.addf %get3A_618, %get3A_238 : vector<16xf32>
        %swap3A_620 = arith.constant 0 : i32
        %swap3A_621 = arith.index_cast %swap3A_620 : i32 to index
        %swap3A_622 = arith.index_cast %scan3A_528 : i32 to index
        %swap3A_623 = arith.constant 96 : index
        %swap3A_624 = tpu.vector_load %arg8[%swap3A_621, %swap3A_622, %swap3A_623] {strides = array<i32>} : memref<2x128x128xf32, #tpu.memory_space<vmem>>, vector<1x1x16xf32>,
        %swap3A_625 = vector.shape_cast %swap3A_624 : vector<1x1x16xf32> to vector<16xf32>
        %swap3A_626 = vector.shape_cast %add3A_619 : vector<16xf32> to vector<1x1x16xf32>
        tpu.vector_store %arg8[%swap3A_621, %swap3A_622, %swap3A_623], %swap3A_626 {strides = array<i32>} : memref<2x128x128xf32, #tpu.memory_space<vmem>>, vector<1x1x16xf32>,
        %get3A_627 = arith.constant 1 : i32
        %get3A_628 = arith.index_cast %get3A_627 : i32 to index
        %get3A_629 = arith.index_cast %scan3A_528 : i32 to index
        %get3A_630 = arith.constant 48 : index
        %get3A_631 = tpu.vector_load %arg7[%get3A_628, %get3A_629, %get3A_630] {strides = array<i32>} : memref<4x128x128xf32, #tpu.memory_space<vmem>>, vector<1x1x16xf32>,
        %get3A_632 = vector.shape_cast %get3A_631 : vector<1x1x16xf32> to vector<16xf32>
        %add3A_633 = arith.addf %get3A_632, %get3A_247 : vector<16xf32>
        %swap3A_634 = arith.constant 0 : i32
        %swap3A_635 = arith.index_cast %swap3A_634 : i32 to index
        %swap3A_636 = arith.index_cast %scan3A_528 : i32 to index
        %swap3A_637 = arith.constant 112 : index
        %swap3A_638 = tpu.vector_load %arg8[%swap3A_635, %swap3A_636, %swap3A_637] {strides = array<i32>} : memref<2x128x128xf32, #tpu.memory_space<vmem>>, vector<1x1x16xf32>,
        %swap3A_639 = vector.shape_cast %swap3A_638 : vector<1x1x16xf32> to vector<16xf32>
        %swap3A_640 = vector.shape_cast %add3A_633 : vector<16xf32> to vector<1x1x16xf32>
        tpu.vector_store %arg8[%swap3A_635, %swap3A_636, %swap3A_637], %swap3A_640 {strides = array<i32>} : memref<2x128x128xf32, #tpu.memory_space<vmem>>, vector<1x1x16xf32>,
      }
      %scan3A_253 = arith.constant 128 : i32
      %mul3A_254 = arith.constant 128 : i32
      %mul3A_255 = arith.muli %add3A_134, %mul3A_254 : i32
      %dma_start3A_256 = arith.constant 0 : i32
      %dma_start3A_257 = arith.constant 0 : i32
      %dma_start3A_258 = arith.constant 0 : i32
      %dma_start3A_259 = arith.constant 0 : i32
      %dma_start3A_260 = tpu.memref_slice %arg8[%dma_start3A_256, %dma_start3A_258, %dma_start3A_259] : memref<2x128x128xf32, #tpu.memory_space<vmem>> -> memref<1x128x128xf32, #tpu.memory_space<vmem>>
      %dma_start3A_261 = tpu.memref_squeeze %dma_start3A_260 : memref<1x128x128xf32, #tpu.memory_space<vmem>> -> memref<128x128xf32, #tpu.memory_space<vmem>>
      %dma_start3A_262 = tpu.memref_slice %arg5[%mul3A_2, %mul3A_255] : memref<4096x12800xf32, #tpu.memory_space<hbm>> -> memref<128x128xf32, #tpu.memory_space<hbm>>
      %dma_start3A_263 = tpu.memref_slice %arg12[%dma_start3A_257] : memref<2x!tpu.dma_semaphore, #tpu.memory_space<semaphore_mem>> -> memref<1x!tpu.dma_semaphore, #tpu.memory_space<semaphore_mem>>
      %dma_start3A_264 = tpu.memref_squeeze %dma_start3A_263 : memref<1x!tpu.dma_semaphore, #tpu.memory_space<semaphore_mem>> -> memref<!tpu.dma_semaphore, #tpu.memory_space<semaphore_mem>>
      %dma_start3A_265 = tpu.memref_slice %arg5[%mul3A_2, %mul3A_255] : memref<4096x12800xf32, #tpu.memory_space<hbm>> -> memref<128x128xf32, #tpu.memory_space<hbm>>
      %dma_start3A_266 = arith.constant 0 : i32
      %dma_start3A_267 = arith.constant 0 : i32
      %dma_start3A_268 = tpu.memref_slice %arg8[%dma_start3A_256, %dma_start3A_266, %dma_start3A_267] : memref<2x128x128xf32, #tpu.memory_space<vmem>> -> memref<1x128x128xf32, #tpu.memory_space<vmem>>
      %dma_start3A_269 = tpu.memref_squeeze %dma_start3A_268 : memref<1x128x128xf32, #tpu.memory_space<vmem>> -> memref<128x128xf32, #tpu.memory_space<vmem>>
      tpu.enqueue_dma source(%dma_start3A_269 : memref<128x128xf32, #tpu.memory_space<vmem>>) target(%dma_start3A_265 : memref<128x128xf32, #tpu.memory_space<hbm>>) target_semaphore(%dma_start3A_264 : memref<!tpu.dma_semaphore, #tpu.memory_space<semaphore_mem>>)
      %mul3A_270 = arith.constant 2 : i32
      %mul3A_271 = arith.muli %scan3A_130, %mul3A_270 : i32
      %add3A_272 = arith.constant 1 : i32
      %add3A_273 = arith.addi %mul3A_271, %add3A_272 : i32
      %dma_wait3A_274 = arith.constant 2 : i32
      %dma_wait3A_275 = arith.constant 2 : i32
      %dma_wait3A_276 = arith.constant 0 : i32
      %dma_wait3A_277 = arith.constant 0 : i32
      %dma_wait3A_278 = tpu.memref_slice %arg7[%dma_wait3A_274, %dma_wait3A_276, %dma_wait3A_277] : memref<4x128x128xf32, #tpu.memory_space<vmem>> -> memref<1x128x128xf32, #tpu.memory_space<vmem>>
      %dma_wait3A_279 = tpu.memref_squeeze %dma_wait3A_278 : memref<1x128x128xf32, #tpu.memory_space<vmem>> -> memref<128x128xf32, #tpu.memory_space<vmem>>
      %dma_wait3A_280 = arith.constant 512 : i32
      %dma_wait3A_281 = tpu.memref_slice %arg6[%dma_wait3A_280] : memref<1024xi32, #tpu.memory_space<vmem>> -> memref<128xi32, #tpu.memory_space<vmem>>
      %dma_wait3A_282 = arith.constant 0 : i32
      %dma_wait3A_283 = arith.constant 0 : i32
      %dma_wait3A_284 = tpu.memref_slice %arg4[%dma_wait3A_282, %dma_wait3A_283] : memref<100000x128xf32, #tpu.memory_space<hbm>> -> memref<100000x128xf32, #tpu.memory_space<hbm>>
      %dma_wait3A_285 = tpu.memref_slice %arg11[%dma_wait3A_275] : memref<4x!tpu.dma_semaphore, #tpu.memory_space<semaphore_mem>> -> memref<1x!tpu.dma_semaphore, #tpu.memory_space<semaphore_mem>>
      %dma_wait3A_286 = tpu.memref_squeeze %dma_wait3A_285 : memref<1x!tpu.dma_semaphore, #tpu.memory_space<semaphore_mem>> -> memref<!tpu.dma_semaphore, #tpu.memory_space<semaphore_mem>>
      tpu.wait_indirect_dma semaphore(%dma_wait3A_286 : memref<!tpu.dma_semaphore, #tpu.memory_space<semaphore_mem>>) src(%dma_wait3A_284 : memref<100000x128xf32, #tpu.memory_space<hbm>>) dst(%dma_wait3A_279 : memref<128x128xf32, #tpu.memory_space<vmem>>)
      %dma_wait3A_287 = arith.constant 3 : i32
      %dma_wait3A_288 = arith.constant 3 : i32
      %dma_wait3A_289 = arith.constant 0 : i32
      %dma_wait3A_290 = arith.constant 0 : i32
      %dma_wait3A_291 = tpu.memref_slice %arg7[%dma_wait3A_287, %dma_wait3A_289, %dma_wait3A_290] : memref<4x128x128xf32, #tpu.memory_space<vmem>> -> memref<1x128x128xf32, #tpu.memory_space<vmem>>
      %dma_wait3A_292 = tpu.memref_squeeze %dma_wait3A_291 : memref<1x128x128xf32, #tpu.memory_space<vmem>> -> memref<128x128xf32, #tpu.memory_space<vmem>>
      %dma_wait3A_293 = arith.constant 768 : i32
      %dma_wait3A_294 = tpu.memref_slice %arg6[%dma_wait3A_293] : memref<1024xi32, #tpu.memory_space<vmem>> -> memref<128xi32, #tpu.memory_space<vmem>>
      %dma_wait3A_295 = arith.constant 0 : i32
      %dma_wait3A_296 = arith.constant 0 : i32
      %dma_wait3A_297 = tpu.memref_slice %arg4[%dma_wait3A_295, %dma_wait3A_296] : memref<100000x128xf32, #tpu.memory_space<hbm>> -> memref<100000x128xf32, #tpu.memory_space<hbm>>
      %dma_wait3A_298 = tpu.memref_slice %arg11[%dma_wait3A_288] : memref<4x!tpu.dma_semaphore, #tpu.memory_space<semaphore_mem>> -> memref<1x!tpu.dma_semaphore, #tpu.memory_space<semaphore_mem>>
      %dma_wait3A_299 = tpu.memref_squeeze %dma_wait3A_298 : memref<1x!tpu.dma_semaphore, #tpu.memory_space<semaphore_mem>> -> memref<!tpu.dma_semaphore, #tpu.memory_space<semaphore_mem>>
      tpu.wait_indirect_dma semaphore(%dma_wait3A_299 : memref<!tpu.dma_semaphore, #tpu.memory_space<semaphore_mem>>) src(%dma_wait3A_297 : memref<100000x128xf32, #tpu.memory_space<hbm>>) dst(%dma_wait3A_292 : memref<128x128xf32, #tpu.memory_space<vmem>>)
      %sub3A_300 = arith.constant 2 : i32
      %sub3A_301 = arith.subi %add3A_273, %sub3A_300 : i32
      %ge3A_302 = arith.constant 0 : i32
      %ge3A_303 = arith.cmpi sge, %sub3A_301, %ge3A_302 : i32
      %convert_element_type3A_304 = arith.extui %ge3A_303 : i1 to i32
      %cond3A_305 = arith.constant 0 : i32
      %cond3A_306 = arith.cmpi ne, %convert_element_type3A_304, %cond3A_305 : i32
      scf.if %cond3A_306 {
        %sub3A_415 = arith.constant 2 : i32
        %sub3A_416 = arith.subi %add3A_273, %sub3A_415 : i32
        %mul3A_417 = arith.constant 128 : i32
        %mul3A_418 = arith.muli %sub3A_416, %mul3A_417 : i32
        %dma_wait3A_419 = arith.constant 1 : i32
        %dma_wait3A_420 = arith.constant 1 : i32
        %dma_wait3A_421 = arith.constant 0 : i32
        %dma_wait3A_422 = arith.constant 0 : i32
        %dma_wait3A_423 = tpu.memref_slice %arg8[%dma_wait3A_419, %dma_wait3A_421, %dma_wait3A_422] : memref<2x128x128xf32, #tpu.memory_space<vmem>> -> memref<1x128x128xf32, #tpu.memory_space<vmem>>
        %dma_wait3A_424 = tpu.memref_squeeze %dma_wait3A_423 : memref<1x128x128xf32, #tpu.memory_space<vmem>> -> memref<128x128xf32, #tpu.memory_space<vmem>>
        %dma_wait3A_425 = tpu.memref_slice %arg5[%mul3A_2, %mul3A_418] : memref<4096x12800xf32, #tpu.memory_space<hbm>> -> memref<128x128xf32, #tpu.memory_space<hbm>>
        %dma_wait3A_426 = tpu.memref_slice %arg12[%dma_wait3A_420] : memref<2x!tpu.dma_semaphore, #tpu.memory_space<semaphore_mem>> -> memref<1x!tpu.dma_semaphore, #tpu.memory_space<semaphore_mem>>
        %dma_wait3A_427 = tpu.memref_squeeze %dma_wait3A_426 : memref<1x!tpu.dma_semaphore, #tpu.memory_space<semaphore_mem>> -> memref<!tpu.dma_semaphore, #tpu.memory_space<semaphore_mem>>
        %dma_wait3A_428 = tpu.memref_slice %arg5[%mul3A_2, %mul3A_418] : memref<4096x12800xf32, #tpu.memory_space<hbm>> -> memref<128x128xf32, #tpu.memory_space<hbm>>
        %dma_wait3A_429 = arith.constant 0 : i32
        %dma_wait3A_430 = arith.constant 0 : i32
        %dma_wait3A_431 = tpu.memref_slice %arg8[%dma_wait3A_419, %dma_wait3A_429, %dma_wait3A_430] : memref<2x128x128xf32, #tpu.memory_space<vmem>> -> memref<1x128x128xf32, #tpu.memory_space<vmem>>
        %dma_wait3A_432 = tpu.memref_squeeze %dma_wait3A_431 : memref<1x128x128xf32, #tpu.memory_space<vmem>> -> memref<128x128xf32, #tpu.memory_space<vmem>>
        tpu.wait_dma2 semaphore(%dma_wait3A_427 : memref<!tpu.dma_semaphore, #tpu.memory_space<semaphore_mem>>) src(%dma_wait3A_432 : memref<128x128xf32, #tpu.memory_space<vmem>>) dst(%dma_wait3A_428 : memref<128x128xf32, #tpu.memory_space<hbm>>)
      } else {
      }
      %add3A_307 = arith.constant 1 : i32
      %add3A_308 = arith.addi %add3A_273, %add3A_307 : i32
      %le3A_309 = arith.constant 99 : i32
      %le3A_310 = arith.cmpi sle, %add3A_308, %le3A_309 : i32
      %convert_element_type3A_311 = arith.extui %le3A_310 : i1 to i32
      %cond3A_312 = arith.constant 0 : i32
      %cond3A_313 = arith.cmpi ne, %convert_element_type3A_311, %cond3A_312 : i32
      scf.if %cond3A_313 {
        %mul3A_415 = arith.constant 2 : i32
        %mul3A_416 = arith.muli %mul3A_415, %add3A_273 : i32
        %add3A_417 = arith.constant 2 : i32
        %add3A_418 = arith.addi %mul3A_416, %add3A_417 : i32
        %mul3A_419 = arith.constant 4096 : i32
        %mul3A_420 = arith.muli %add3A_418, %mul3A_419 : i32
        %add3A_421 = arith.addi %mul3A_420, %mul3A_2 : i32
        %dma_wait3A_422 = arith.constant 0 : i32
        %dma_wait3A_423 = arith.constant 0 : i32
        %dma_wait3A_424 = tpu.memref_slice %arg6[%dma_wait3A_423] : memref<1024xi32, #tpu.memory_space<vmem>> -> memref<128xi32, #tpu.memory_space<vmem>>
        %dma_wait3A_425 = tpu.memref_slice %arg2[%add3A_421] : memref<819200xi32, #tpu.memory_space<hbm>> -> memref<128xi32, #tpu.memory_space<hbm>>
        %dma_wait3A_426 = tpu.memref_slice %arg10[%dma_wait3A_422] : memref<4x!tpu.dma_semaphore, #tpu.memory_space<semaphore_mem>> -> memref<1x!tpu.dma_semaphore, #tpu.memory_space<semaphore_mem>>
        %dma_wait3A_427 = tpu.memref_squeeze %dma_wait3A_426 : memref<1x!tpu.dma_semaphore, #tpu.memory_space<semaphore_mem>> -> memref<!tpu.dma_semaphore, #tpu.memory_space<semaphore_mem>>
        %dma_wait3A_428 = arith.constant 0 : i32
        %dma_wait3A_429 = tpu.memref_slice %arg6[%dma_wait3A_428] : memref<1024xi32, #tpu.memory_space<vmem>> -> memref<128xi32, #tpu.memory_space<vmem>>
        %dma_wait3A_430 = tpu.memref_slice %arg2[%add3A_421] : memref<819200xi32, #tpu.memory_space<hbm>> -> memref<128xi32, #tpu.memory_space<hbm>>
        tpu.wait_dma2 semaphore(%dma_wait3A_427 : memref<!tpu.dma_semaphore, #tpu.memory_space<semaphore_mem>>) src(%dma_wait3A_430 : memref<128xi32, #tpu.memory_space<hbm>>) dst(%dma_wait3A_429 : memref<128xi32, #tpu.memory_space<vmem>>)
        %mul3A_431 = arith.constant 2 : i32
        %mul3A_432 = arith.muli %mul3A_431, %add3A_273 : i32
        %add3A_433 = arith.constant 3 : i32
        %add3A_434 = arith.addi %mul3A_432, %add3A_433 : i32
        %mul3A_435 = arith.constant 4096 : i32
        %mul3A_436 = arith.muli %add3A_434, %mul3A_435 : i32
        %add3A_437 = arith.addi %mul3A_436, %mul3A_2 : i32
        %dma_wait3A_438 = arith.constant 1 : i32
        %dma_wait3A_439 = arith.constant 256 : i32
        %dma_wait3A_440 = tpu.memref_slice %arg6[%dma_wait3A_439] : memref<1024xi32, #tpu.memory_space<vmem>> -> memref<128xi32, #tpu.memory_space<vmem>>
        %dma_wait3A_441 = tpu.memref_slice %arg2[%add3A_437] : memref<819200xi32, #tpu.memory_space<hbm>> -> memref<128xi32, #tpu.memory_space<hbm>>
        %dma_wait3A_442 = tpu.memref_slice %arg10[%dma_wait3A_438] : memref<4x!tpu.dma_semaphore, #tpu.memory_space<semaphore_mem>> -> memref<1x!tpu.dma_semaphore, #tpu.memory_space<semaphore_mem>>
        %dma_wait3A_443 = tpu.memref_squeeze %dma_wait3A_442 : memref<1x!tpu.dma_semaphore, #tpu.memory_space<semaphore_mem>> -> memref<!tpu.dma_semaphore, #tpu.memory_space<semaphore_mem>>
        %dma_wait3A_444 = arith.constant 256 : i32
        %dma_wait3A_445 = tpu.memref_slice %arg6[%dma_wait3A_444] : memref<1024xi32, #tpu.memory_space<vmem>> -> memref<128xi32, #tpu.memory_space<vmem>>
        %dma_wait3A_446 = tpu.memref_slice %arg2[%add3A_437] : memref<819200xi32, #tpu.memory_space<hbm>> -> memref<128xi32, #tpu.memory_space<hbm>>
        tpu.wait_dma2 semaphore(%dma_wait3A_443 : memref<!tpu.dma_semaphore, #tpu.memory_space<semaphore_mem>>) src(%dma_wait3A_446 : memref<128xi32, #tpu.memory_space<hbm>>) dst(%dma_wait3A_445 : memref<128xi32, #tpu.memory_space<vmem>>)
        %dma_start3A_447 = arith.constant 0 : i32
        %dma_start3A_448 = arith.constant 0 : i32
        %dma_start3A_449 = arith.constant 0 : i32
        %dma_start3A_450 = arith.constant 0 : i32
        %dma_start3A_451 = tpu.memref_slice %arg7[%dma_start3A_447, %dma_start3A_449, %dma_start3A_450] : memref<4x128x128xf32, #tpu.memory_space<vmem>> -> memref<1x128x128xf32, #tpu.memory_space<vmem>>
        %dma_start3A_452 = tpu.memref_squeeze %dma_start3A_451 : memref<1x128x128xf32, #tpu.memory_space<vmem>> -> memref<128x128xf32, #tpu.memory_space<vmem>>
        %dma_start3A_453 = arith.constant 0 : i32
        %dma_start3A_454 = tpu.memref_slice %arg6[%dma_start3A_453] : memref<1024xi32, #tpu.memory_space<vmem>> -> memref<128xi32, #tpu.memory_space<vmem>>
        %dma_start3A_455 = arith.constant 0 : i32
        %dma_start3A_456 = arith.constant 0 : i32
        %dma_start3A_457 = tpu.memref_slice %arg4[%dma_start3A_455, %dma_start3A_456] : memref<100000x128xf32, #tpu.memory_space<hbm>> -> memref<100000x128xf32, #tpu.memory_space<hbm>>
        %dma_start3A_458 = tpu.memref_slice %arg11[%dma_start3A_448] : memref<4x!tpu.dma_semaphore, #tpu.memory_space<semaphore_mem>> -> memref<1x!tpu.dma_semaphore, #tpu.memory_space<semaphore_mem>>
        %dma_start3A_459 = tpu.memref_squeeze %dma_start3A_458 : memref<1x!tpu.dma_semaphore, #tpu.memory_space<semaphore_mem>> -> memref<!tpu.dma_semaphore, #tpu.memory_space<semaphore_mem>>
        tpu.enqueue_indirect_dma source(%dma_start3A_457 : memref<100000x128xf32, #tpu.memory_space<hbm>>) target(%dma_start3A_452 : memref<128x128xf32, #tpu.memory_space<vmem>>) offsets(%dma_start3A_454 : memref<128xi32, #tpu.memory_space<vmem>>) semaphore(%dma_start3A_459 : memref<!tpu.dma_semaphore, #tpu.memory_space<semaphore_mem>>)
        %dma_start3A_460 = arith.constant 1 : i32
        %dma_start3A_461 = arith.constant 1 : i32
        %dma_start3A_462 = arith.constant 0 : i32
        %dma_start3A_463 = arith.constant 0 : i32
        %dma_start3A_464 = tpu.memref_slice %arg7[%dma_start3A_460, %dma_start3A_462, %dma_start3A_463] : memref<4x128x128xf32, #tpu.memory_space<vmem>> -> memref<1x128x128xf32, #tpu.memory_space<vmem>>
        %dma_start3A_465 = tpu.memref_squeeze %dma_start3A_464 : memref<1x128x128xf32, #tpu.memory_space<vmem>> -> memref<128x128xf32, #tpu.memory_space<vmem>>
        %dma_start3A_466 = arith.constant 256 : i32
        %dma_start3A_467 = tpu.memref_slice %arg6[%dma_start3A_466] : memref<1024xi32, #tpu.memory_space<vmem>> -> memref<128xi32, #tpu.memory_space<vmem>>
        %dma_start3A_468 = arith.constant 0 : i32
        %dma_start3A_469 = arith.constant 0 : i32
        %dma_start3A_470 = tpu.memref_slice %arg4[%dma_start3A_468, %dma_start3A_469] : memref<100000x128xf32, #tpu.memory_space<hbm>> -> memref<100000x128xf32, #tpu.memory_space<hbm>>
        %dma_start3A_471 = tpu.memref_slice %arg11[%dma_start3A_461] : memref<4x!tpu.dma_semaphore, #tpu.memory_space<semaphore_mem>> -> memref<1x!tpu.dma_semaphore, #tpu.memory_space<semaphore_mem>>
        %dma_start3A_472 = tpu.memref_squeeze %dma_start3A_471 : memref<1x!tpu.dma_semaphore, #tpu.memory_space<semaphore_mem>> -> memref<!tpu.dma_semaphore, #tpu.memory_space<semaphore_mem>>
        tpu.enqueue_indirect_dma source(%dma_start3A_470 : memref<100000x128xf32, #tpu.memory_space<hbm>>) target(%dma_start3A_465 : memref<128x128xf32, #tpu.memory_space<vmem>>) offsets(%dma_start3A_467 : memref<128xi32, #tpu.memory_space<vmem>>) semaphore(%dma_start3A_472 : memref<!tpu.dma_semaphore, #tpu.memory_space<semaphore_mem>>)
      } else {
      }
      %add3A_314 = arith.constant 2 : i32
      %add3A_315 = arith.addi %add3A_273, %add3A_314 : i32
      %le3A_316 = arith.constant 99 : i32
      %le3A_317 = arith.cmpi sle, %add3A_315, %le3A_316 : i32
      %convert_element_type3A_318 = arith.extui %le3A_317 : i1 to i32
      %cond3A_319 = arith.constant 0 : i32
      %cond3A_320 = arith.cmpi ne, %convert_element_type3A_318, %cond3A_319 : i32
      scf.if %cond3A_320 {
        %mul3A_415 = arith.constant 2 : i32
        %mul3A_416 = arith.muli %mul3A_415, %add3A_273 : i32
        %add3A_417 = arith.constant 4 : i32
        %add3A_418 = arith.addi %mul3A_416, %add3A_417 : i32
        %mul3A_419 = arith.constant 4096 : i32
        %mul3A_420 = arith.muli %add3A_418, %mul3A_419 : i32
        %add3A_421 = arith.addi %mul3A_420, %mul3A_2 : i32
        %dma_start3A_422 = arith.constant 2 : i32
        %dma_start3A_423 = arith.constant 512 : i32
        %dma_start3A_424 = tpu.memref_slice %arg6[%dma_start3A_423] : memref<1024xi32, #tpu.memory_space<vmem>> -> memref<128xi32, #tpu.memory_space<vmem>>
        %dma_start3A_425 = tpu.memref_slice %arg2[%add3A_421] : memref<819200xi32, #tpu.memory_space<hbm>> -> memref<128xi32, #tpu.memory_space<hbm>>
        %dma_start3A_426 = tpu.memref_slice %arg10[%dma_start3A_422] : memref<4x!tpu.dma_semaphore, #tpu.memory_space<semaphore_mem>> -> memref<1x!tpu.dma_semaphore, #tpu.memory_space<semaphore_mem>>
        %dma_start3A_427 = tpu.memref_squeeze %dma_start3A_426 : memref<1x!tpu.dma_semaphore, #tpu.memory_space<semaphore_mem>> -> memref<!tpu.dma_semaphore, #tpu.memory_space<semaphore_mem>>
        %dma_start3A_428 = arith.constant 512 : i32
        %dma_start3A_429 = tpu.memref_slice %arg6[%dma_start3A_428] : memref<1024xi32, #tpu.memory_space<vmem>> -> memref<128xi32, #tpu.memory_space<vmem>>
        %dma_start3A_430 = tpu.memref_slice %arg2[%add3A_421] : memref<819200xi32, #tpu.memory_space<hbm>> -> memref<128xi32, #tpu.memory_space<hbm>>
        tpu.enqueue_dma source(%dma_start3A_430 : memref<128xi32, #tpu.memory_space<hbm>>) target(%dma_start3A_429 : memref<128xi32, #tpu.memory_space<vmem>>) target_semaphore(%dma_start3A_427 : memref<!tpu.dma_semaphore, #tpu.memory_space<semaphore_mem>>)
        %mul3A_431 = arith.constant 2 : i32
        %mul3A_432 = arith.muli %mul3A_431, %add3A_273 : i32
        %add3A_433 = arith.constant 5 : i32
        %add3A_434 = arith.addi %mul3A_432, %add3A_433 : i32
        %mul3A_435 = arith.constant 4096 : i32
        %mul3A_436 = arith.muli %add3A_434, %mul3A_435 : i32
        %add3A_437 = arith.addi %mul3A_436, %mul3A_2 : i32
        %dma_start3A_438 = arith.constant 3 : i32
        %dma_start3A_439 = arith.constant 768 : i32
        %dma_start3A_440 = tpu.memref_slice %arg6[%dma_start3A_439] : memref<1024xi32, #tpu.memory_space<vmem>> -> memref<128xi32, #tpu.memory_space<vmem>>
        %dma_start3A_441 = tpu.memref_slice %arg2[%add3A_437] : memref<819200xi32, #tpu.memory_space<hbm>> -> memref<128xi32, #tpu.memory_space<hbm>>
        %dma_start3A_442 = tpu.memref_slice %arg10[%dma_start3A_438] : memref<4x!tpu.dma_semaphore, #tpu.memory_space<semaphore_mem>> -> memref<1x!tpu.dma_semaphore, #tpu.memory_space<semaphore_mem>>
        %dma_start3A_443 = tpu.memref_squeeze %dma_start3A_442 : memref<1x!tpu.dma_semaphore, #tpu.memory_space<semaphore_mem>> -> memref<!tpu.dma_semaphore, #tpu.memory_space<semaphore_mem>>
        %dma_start3A_444 = arith.constant 768 : i32
        %dma_start3A_445 = tpu.memref_slice %arg6[%dma_start3A_444] : memref<1024xi32, #tpu.memory_space<vmem>> -> memref<128xi32, #tpu.memory_space<vmem>>
        %dma_start3A_446 = tpu.memref_slice %arg2[%add3A_437] : memref<819200xi32, #tpu.memory_space<hbm>> -> memref<128xi32, #tpu.memory_space<hbm>>
        tpu.enqueue_dma source(%dma_start3A_446 : memref<128xi32, #tpu.memory_space<hbm>>) target(%dma_start3A_445 : memref<128xi32, #tpu.memory_space<vmem>>) target_semaphore(%dma_start3A_443 : memref<!tpu.dma_semaphore, #tpu.memory_space<semaphore_mem>>)
      } else {
      }
      %mul3A_321 = arith.constant 2 : i32
      %mul3A_322 = arith.muli %mul3A_321, %add3A_273 : i32
      %mul3A_323 = arith.constant 64 : i32
      %mul3A_324 = arith.muli %mul3A_322, %mul3A_323 : i32
      %add3A_325 = arith.constant 0 : i32
      %add3A_326 = arith.addi %mul3A_324, %add3A_325 : i32
      %get3A_327 = arith.index_cast %add3A_326 : i32 to index
      %get3A_328 = tpu.vector_load %arg9[%get3A_327] {strides = array<i32>} : memref<12800xf32, #tpu.memory_space<vmem>>, vector<16xf32>,
      %get3A_329 = vector.shape_cast %get3A_328 : vector<16xf32> to vector<16xf32>
      %mul3A_330 = arith.constant 2 : i32
      %mul3A_331 = arith.muli %mul3A_330, %add3A_273 : i32
      %mul3A_332 = arith.constant 64 : i32
      %mul3A_333 = arith.muli %mul3A_331, %mul3A_332 : i32
      %add3A_334 = arith.constant 16 : i32
      %add3A_335 = arith.addi %mul3A_333, %add3A_334 : i32
      %get3A_336 = arith.index_cast %add3A_335 : i32 to index
      %get3A_337 = tpu.vector_load %arg9[%get3A_336] {strides = array<i32>} : memref<12800xf32, #tpu.memory_space<vmem>>, vector<16xf32>,
      %get3A_338 = vector.shape_cast %get3A_337 : vector<16xf32> to vector<16xf32>
      %mul3A_339 = arith.constant 2 : i32
      %mul3A_340 = arith.muli %mul3A_339, %add3A_273 : i32
      %mul3A_341 = arith.constant 64 : i32
      %mul3A_342 = arith.muli %mul3A_340, %mul3A_341 : i32
      %add3A_343 = arith.constant 32 : i32
      %add3A_344 = arith.addi %mul3A_342, %add3A_343 : i32
      %get3A_345 = arith.index_cast %add3A_344 : i32 to index
      %get3A_346 = tpu.vector_load %arg9[%get3A_345] {strides = array<i32>} : memref<12800xf32, #tpu.memory_space<vmem>>, vector<16xf32>,
      %get3A_347 = vector.shape_cast %get3A_346 : vector<16xf32> to vector<16xf32>
      %mul3A_348 = arith.constant 2 : i32
      %mul3A_349 = arith.muli %mul3A_348, %add3A_273 : i32
      %mul3A_350 = arith.constant 64 : i32
      %mul3A_351 = arith.muli %mul3A_349, %mul3A_350 : i32
      %add3A_352 = arith.constant 48 : i32
      %add3A_353 = arith.addi %mul3A_351, %add3A_352 : i32
      %get3A_354 = arith.index_cast %add3A_353 : i32 to index
      %get3A_355 = tpu.vector_load %arg9[%get3A_354] {strides = array<i32>} : memref<12800xf32, #tpu.memory_space<vmem>>, vector<16xf32>,
      %get3A_356 = vector.shape_cast %get3A_355 : vector<16xf32> to vector<16xf32>
      %mul3A_357 = arith.constant 2 : i32
      %mul3A_358 = arith.muli %mul3A_357, %add3A_273 : i32
      %mul3A_359 = arith.constant 64 : i32
      %mul3A_360 = arith.muli %mul3A_358, %mul3A_359 : i32
      %add3A_361 = arith.constant 64 : i32
      %add3A_362 = arith.addi %mul3A_360, %add3A_361 : i32
      %get3A_363 = arith.index_cast %add3A_362 : i32 to index
      %get3A_364 = tpu.vector_load %arg9[%get3A_363] {strides = array<i32>} : memref<12800xf32, #tpu.memory_space<vmem>>, vector<16xf32>,
      %get3A_365 = vector.shape_cast %get3A_364 : vector<16xf32> to vector<16xf32>
      %mul3A_366 = arith.constant 2 : i32
      %mul3A_367 = arith.muli %mul3A_366, %add3A_273 : i32
      %mul3A_368 = arith.constant 64 : i32
      %mul3A_369 = arith.muli %mul3A_367, %mul3A_368 : i32
      %add3A_370 = arith.constant 80 : i32
      %add3A_371 = arith.addi %mul3A_369, %add3A_370 : i32
      %get3A_372 = arith.index_cast %add3A_371 : i32 to index
      %get3A_373 = tpu.vector_load %arg9[%get3A_372] {strides = array<i32>} : memref<12800xf32, #tpu.memory_space<vmem>>, vector<16xf32>,
      %get3A_374 = vector.shape_cast %get3A_373 : vector<16xf32> to vector<16xf32>
      %mul3A_375 = arith.constant 2 : i32
      %mul3A_376 = arith.muli %mul3A_375, %add3A_273 : i32
      %mul3A_377 = arith.constant 64 : i32
      %mul3A_378 = arith.muli %mul3A_376, %mul3A_377 : i32
      %add3A_379 = arith.constant 96 : i32
      %add3A_380 = arith.addi %mul3A_378, %add3A_379 : i32
      %get3A_381 = arith.index_cast %add3A_380 : i32 to index
      %get3A_382 = tpu.vector_load %arg9[%get3A_381] {strides = array<i32>} : memref<12800xf32, #tpu.memory_space<vmem>>, vector<16xf32>,
      %get3A_383 = vector.shape_cast %get3A_382 : vector<16xf32> to vector<16xf32>
      %mul3A_384 = arith.constant 2 : i32
      %mul3A_385 = arith.muli %mul3A_384, %add3A_273 : i32
      %mul3A_386 = arith.constant 64 : i32
      %mul3A_387 = arith.muli %mul3A_385, %mul3A_386 : i32
      %add3A_388 = arith.constant 112 : i32
      %add3A_389 = arith.addi %mul3A_387, %add3A_388 : i32
      %get3A_390 = arith.index_cast %add3A_389 : i32 to index
      %get3A_391 = tpu.vector_load %arg9[%get3A_390] {strides = array<i32>} : memref<12800xf32, #tpu.memory_space<vmem>>, vector<16xf32>,
      %get3A_392 = vector.shape_cast %get3A_391 : vector<16xf32> to vector<16xf32>
      %scan3A_393 = arith.constant 0 : i32
      %scan3A_394 = arith.constant 0 : i32
      %scan3A_395 = arith.constant 128 : i32
      %scan3A_396 = arith.addi %scan3A_394, %scan3A_395 : i32
      %scan3A_397 = arith.constant 2 : i32
      scf.for %scan3A_415 = %scan3A_394 to %scan3A_396 step %scan3A_397  : i32 {
        %get3A_416 = arith.constant 2 : i32
        %get3A_417 = arith.index_cast %get3A_416 : i32 to index
        %get3A_418 = arith.index_cast %scan3A_415 : i32 to index
        %get3A_419 = arith.constant 0 : index
        %get3A_420 = tpu.vector_load %arg7[%get3A_417, %get3A_418, %get3A_419] {strides = array<i32>} : memref<4x128x128xf32, #tpu.memory_space<vmem>>, vector<1x1x16xf32>,
        %get3A_421 = vector.shape_cast %get3A_420 : vector<1x1x16xf32> to vector<16xf32>
        %add3A_422 = arith.addf %get3A_421, %get3A_329 : vector<16xf32>
        %swap3A = arith.constant 1 : i32
        %swap3A_423 = arith.index_cast %swap3A : i32 to index
        %swap3A_424 = arith.index_cast %scan3A_415 : i32 to index
        %swap3A_425 = arith.constant 0 : index
        %swap3A_426 = tpu.vector_load %arg8[%swap3A_423, %swap3A_424, %swap3A_425] {strides = array<i32>} : memref<2x128x128xf32, #tpu.memory_space<vmem>>, vector<1x1x16xf32>,
        %swap3A_427 = vector.shape_cast %swap3A_426 : vector<1x1x16xf32> to vector<16xf32>
        %swap3A_428 = vector.shape_cast %add3A_422 : vector<16xf32> to vector<1x1x16xf32>
        tpu.vector_store %arg8[%swap3A_423, %swap3A_424, %swap3A_425], %swap3A_428 {strides = array<i32>} : memref<2x128x128xf32, #tpu.memory_space<vmem>>, vector<1x1x16xf32>,
        %get3A_429 = arith.constant 2 : i32
        %get3A_430 = arith.index_cast %get3A_429 : i32 to index
        %get3A_431 = arith.index_cast %scan3A_415 : i32 to index
        %get3A_432 = arith.constant 16 : index
        %get3A_433 = tpu.vector_load %arg7[%get3A_430, %get3A_431, %get3A_432] {strides = array<i32>} : memref<4x128x128xf32, #tpu.memory_space<vmem>>, vector<1x1x16xf32>,
        %get3A_434 = vector.shape_cast %get3A_433 : vector<1x1x16xf32> to vector<16xf32>
        %add3A_435 = arith.addf %get3A_434, %get3A_338 : vector<16xf32>
        %swap3A_436 = arith.constant 1 : i32
        %swap3A_437 = arith.index_cast %swap3A_436 : i32 to index
        %swap3A_438 = arith.index_cast %scan3A_415 : i32 to index
        %swap3A_439 = arith.constant 16 : index
        %swap3A_440 = tpu.vector_load %arg8[%swap3A_437, %swap3A_438, %swap3A_439] {strides = array<i32>} : memref<2x128x128xf32, #tpu.memory_space<vmem>>, vector<1x1x16xf32>,
        %swap3A_441 = vector.shape_cast %swap3A_440 : vector<1x1x16xf32> to vector<16xf32>
        %swap3A_442 = vector.shape_cast %add3A_435 : vector<16xf32> to vector<1x1x16xf32>
        tpu.vector_store %arg8[%swap3A_437, %swap3A_438, %swap3A_439], %swap3A_442 {strides = array<i32>} : memref<2x128x128xf32, #tpu.memory_space<vmem>>, vector<1x1x16xf32>,
        %get3A_443 = arith.constant 2 : i32
        %get3A_444 = arith.index_cast %get3A_443 : i32 to index
        %get3A_445 = arith.index_cast %scan3A_415 : i32 to index
        %get3A_446 = arith.constant 32 : index
        %get3A_447 = tpu.vector_load %arg7[%get3A_444, %get3A_445, %get3A_446] {strides = array<i32>} : memref<4x128x128xf32, #tpu.memory_space<vmem>>, vector<1x1x16xf32>,
        %get3A_448 = vector.shape_cast %get3A_447 : vector<1x1x16xf32> to vector<16xf32>
        %add3A_449 = arith.addf %get3A_448, %get3A_347 : vector<16xf32>
        %swap3A_450 = arith.constant 1 : i32
        %swap3A_451 = arith.index_cast %swap3A_450 : i32 to index
        %swap3A_452 = arith.index_cast %scan3A_415 : i32 to index
        %swap3A_453 = arith.constant 32 : index
        %swap3A_454 = tpu.vector_load %arg8[%swap3A_451, %swap3A_452, %swap3A_453] {strides = array<i32>} : memref<2x128x128xf32, #tpu.memory_space<vmem>>, vector<1x1x16xf32>,
        %swap3A_455 = vector.shape_cast %swap3A_454 : vector<1x1x16xf32> to vector<16xf32>
        %swap3A_456 = vector.shape_cast %add3A_449 : vector<16xf32> to vector<1x1x16xf32>
        tpu.vector_store %arg8[%swap3A_451, %swap3A_452, %swap3A_453], %swap3A_456 {strides = array<i32>} : memref<2x128x128xf32, #tpu.memory_space<vmem>>, vector<1x1x16xf32>,
        %get3A_457 = arith.constant 2 : i32
        %get3A_458 = arith.index_cast %get3A_457 : i32 to index
        %get3A_459 = arith.index_cast %scan3A_415 : i32 to index
        %get3A_460 = arith.constant 48 : index
        %get3A_461 = tpu.vector_load %arg7[%get3A_458, %get3A_459, %get3A_460] {strides = array<i32>} : memref<4x128x128xf32, #tpu.memory_space<vmem>>, vector<1x1x16xf32>,
        %get3A_462 = vector.shape_cast %get3A_461 : vector<1x1x16xf32> to vector<16xf32>
        %add3A_463 = arith.addf %get3A_462, %get3A_356 : vector<16xf32>
        %swap3A_464 = arith.constant 1 : i32
        %swap3A_465 = arith.index_cast %swap3A_464 : i32 to index
        %swap3A_466 = arith.index_cast %scan3A_415 : i32 to index
        %swap3A_467 = arith.constant 48 : index
        %swap3A_468 = tpu.vector_load %arg8[%swap3A_465, %swap3A_466, %swap3A_467] {strides = array<i32>} : memref<2x128x128xf32, #tpu.memory_space<vmem>>, vector<1x1x16xf32>,
        %swap3A_469 = vector.shape_cast %swap3A_468 : vector<1x1x16xf32> to vector<16xf32>
        %swap3A_470 = vector.shape_cast %add3A_463 : vector<16xf32> to vector<1x1x16xf32>
        tpu.vector_store %arg8[%swap3A_465, %swap3A_466, %swap3A_467], %swap3A_470 {strides = array<i32>} : memref<2x128x128xf32, #tpu.memory_space<vmem>>, vector<1x1x16xf32>,
        %get3A_471 = arith.constant 3 : i32
        %get3A_472 = arith.index_cast %get3A_471 : i32 to index
        %get3A_473 = arith.index_cast %scan3A_415 : i32 to index
        %get3A_474 = arith.constant 0 : index
        %get3A_475 = tpu.vector_load %arg7[%get3A_472, %get3A_473, %get3A_474] {strides = array<i32>} : memref<4x128x128xf32, #tpu.memory_space<vmem>>, vector<1x1x16xf32>,
        %get3A_476 = vector.shape_cast %get3A_475 : vector<1x1x16xf32> to vector<16xf32>
        %add3A_477 = arith.addf %get3A_476, %get3A_365 : vector<16xf32>
        %swap3A_478 = arith.constant 1 : i32
        %swap3A_479 = arith.index_cast %swap3A_478 : i32 to index
        %swap3A_480 = arith.index_cast %scan3A_415 : i32 to index
        %swap3A_481 = arith.constant 64 : index
        %swap3A_482 = tpu.vector_load %arg8[%swap3A_479, %swap3A_480, %swap3A_481] {strides = array<i32>} : memref<2x128x128xf32, #tpu.memory_space<vmem>>, vector<1x1x16xf32>,
        %swap3A_483 = vector.shape_cast %swap3A_482 : vector<1x1x16xf32> to vector<16xf32>
        %swap3A_484 = vector.shape_cast %add3A_477 : vector<16xf32> to vector<1x1x16xf32>
        tpu.vector_store %arg8[%swap3A_479, %swap3A_480, %swap3A_481], %swap3A_484 {strides = array<i32>} : memref<2x128x128xf32, #tpu.memory_space<vmem>>, vector<1x1x16xf32>,
        %get3A_485 = arith.constant 3 : i32
        %get3A_486 = arith.index_cast %get3A_485 : i32 to index
        %get3A_487 = arith.index_cast %scan3A_415 : i32 to index
        %get3A_488 = arith.constant 16 : index
        %get3A_489 = tpu.vector_load %arg7[%get3A_486, %get3A_487, %get3A_488] {strides = array<i32>} : memref<4x128x128xf32, #tpu.memory_space<vmem>>, vector<1x1x16xf32>,
        %get3A_490 = vector.shape_cast %get3A_489 : vector<1x1x16xf32> to vector<16xf32>
        %add3A_491 = arith.addf %get3A_490, %get3A_374 : vector<16xf32>
        %swap3A_492 = arith.constant 1 : i32
        %swap3A_493 = arith.index_cast %swap3A_492 : i32 to index
        %swap3A_494 = arith.index_cast %scan3A_415 : i32 to index
        %swap3A_495 = arith.constant 80 : index
        %swap3A_496 = tpu.vector_load %arg8[%swap3A_493, %swap3A_494, %swap3A_495] {strides = array<i32>} : memref<2x128x128xf32, #tpu.memory_space<vmem>>, vector<1x1x16xf32>,
        %swap3A_497 = vector.shape_cast %swap3A_496 : vector<1x1x16xf32> to vector<16xf32>
        %swap3A_498 = vector.shape_cast %add3A_491 : vector<16xf32> to vector<1x1x16xf32>
        tpu.vector_store %arg8[%swap3A_493, %swap3A_494, %swap3A_495], %swap3A_498 {strides = array<i32>} : memref<2x128x128xf32, #tpu.memory_space<vmem>>, vector<1x1x16xf32>,
        %get3A_499 = arith.constant 3 : i32
        %get3A_500 = arith.index_cast %get3A_499 : i32 to index
        %get3A_501 = arith.index_cast %scan3A_415 : i32 to index
        %get3A_502 = arith.constant 32 : index
        %get3A_503 = tpu.vector_load %arg7[%get3A_500, %get3A_501, %get3A_502] {strides = array<i32>} : memref<4x128x128xf32, #tpu.memory_space<vmem>>, vector<1x1x16xf32>,
        %get3A_504 = vector.shape_cast %get3A_503 : vector<1x1x16xf32> to vector<16xf32>
        %add3A_505 = arith.addf %get3A_504, %get3A_383 : vector<16xf32>
        %swap3A_506 = arith.constant 1 : i32
        %swap3A_507 = arith.index_cast %swap3A_506 : i32 to index
        %swap3A_508 = arith.index_cast %scan3A_415 : i32 to index
        %swap3A_509 = arith.constant 96 : index
        %swap3A_510 = tpu.vector_load %arg8[%swap3A_507, %swap3A_508, %swap3A_509] {strides = array<i32>} : memref<2x128x128xf32, #tpu.memory_space<vmem>>, vector<1x1x16xf32>,
        %swap3A_511 = vector.shape_cast %swap3A_510 : vector<1x1x16xf32> to vector<16xf32>
        %swap3A_512 = vector.shape_cast %add3A_505 : vector<16xf32> to vector<1x1x16xf32>
        tpu.vector_store %arg8[%swap3A_507, %swap3A_508, %swap3A_509], %swap3A_512 {strides = array<i32>} : memref<2x128x128xf32, #tpu.memory_space<vmem>>, vector<1x1x16xf32>,
        %get3A_513 = arith.constant 3 : i32
        %get3A_514 = arith.index_cast %get3A_513 : i32 to index
        %get3A_515 = arith.index_cast %scan3A_415 : i32 to index
        %get3A_516 = arith.constant 48 : index
        %get3A_517 = tpu.vector_load %arg7[%get3A_514, %get3A_515, %get3A_516] {strides = array<i32>} : memref<4x128x128xf32, #tpu.memory_space<vmem>>, vector<1x1x16xf32>,
        %get3A_518 = vector.shape_cast %get3A_517 : vector<1x1x16xf32> to vector<16xf32>
        %add3A_519 = arith.addf %get3A_518, %get3A_392 : vector<16xf32>
        %swap3A_520 = arith.constant 1 : i32
        %swap3A_521 = arith.index_cast %swap3A_520 : i32 to index
        %swap3A_522 = arith.index_cast %scan3A_415 : i32 to index
        %swap3A_523 = arith.constant 112 : index
        %swap3A_524 = tpu.vector_load %arg8[%swap3A_521, %swap3A_522, %swap3A_523] {strides = array<i32>} : memref<2x128x128xf32, #tpu.memory_space<vmem>>, vector<1x1x16xf32>,
        %swap3A_525 = vector.shape_cast %swap3A_524 : vector<1x1x16xf32> to vector<16xf32>
        %swap3A_526 = vector.shape_cast %add3A_519 : vector<16xf32> to vector<1x1x16xf32>
        tpu.vector_store %arg8[%swap3A_521, %swap3A_522, %swap3A_523], %swap3A_526 {strides = array<i32>} : memref<2x128x128xf32, #tpu.memory_space<vmem>>, vector<1x1x16xf32>,
        %scan3A_527 = arith.constant 1 : i32
        %scan3A_528 = arith.addi %scan3A_415, %scan3A_527 : i32
        %get3A_529 = arith.constant 2 : i32
        %get3A_530 = arith.index_cast %get3A_529 : i32 to index
        %get3A_531 = arith.index_cast %scan3A_528 : i32 to index
        %get3A_532 = arith.constant 0 : index
        %get3A_533 = tpu.vector_load %arg7[%get3A_530, %get3A_531, %get3A_532] {strides = array<i32>} : memref<4x128x128xf32, #tpu.memory_space<vmem>>, vector<1x1x16xf32>,
        %get3A_534 = vector.shape_cast %get3A_533 : vector<1x1x16xf32> to vector<16xf32>
        %add3A_535 = arith.addf %get3A_534, %get3A_329 : vector<16xf32>
        %swap3A_536 = arith.constant 1 : i32
        %swap3A_537 = arith.index_cast %swap3A_536 : i32 to index
        %swap3A_538 = arith.index_cast %scan3A_528 : i32 to index
        %swap3A_539 = arith.constant 0 : index
        %swap3A_540 = tpu.vector_load %arg8[%swap3A_537, %swap3A_538, %swap3A_539] {strides = array<i32>} : memref<2x128x128xf32, #tpu.memory_space<vmem>>, vector<1x1x16xf32>,
        %swap3A_541 = vector.shape_cast %swap3A_540 : vector<1x1x16xf32> to vector<16xf32>
        %swap3A_542 = vector.shape_cast %add3A_535 : vector<16xf32> to vector<1x1x16xf32>
        tpu.vector_store %arg8[%swap3A_537, %swap3A_538, %swap3A_539], %swap3A_542 {strides = array<i32>} : memref<2x128x128xf32, #tpu.memory_space<vmem>>, vector<1x1x16xf32>,
        %get3A_543 = arith.constant 2 : i32
        %get3A_544 = arith.index_cast %get3A_543 : i32 to index
        %get3A_545 = arith.index_cast %scan3A_528 : i32 to index
        %get3A_546 = arith.constant 16 : index
        %get3A_547 = tpu.vector_load %arg7[%get3A_544, %get3A_545, %get3A_546] {strides = array<i32>} : memref<4x128x128xf32, #tpu.memory_space<vmem>>, vector<1x1x16xf32>,
        %get3A_548 = vector.shape_cast %get3A_547 : vector<1x1x16xf32> to vector<16xf32>
        %add3A_549 = arith.addf %get3A_548, %get3A_338 : vector<16xf32>
        %swap3A_550 = arith.constant 1 : i32
        %swap3A_551 = arith.index_cast %swap3A_550 : i32 to index
        %swap3A_552 = arith.index_cast %scan3A_528 : i32 to index
        %swap3A_553 = arith.constant 16 : index
        %swap3A_554 = tpu.vector_load %arg8[%swap3A_551, %swap3A_552, %swap3A_553] {strides = array<i32>} : memref<2x128x128xf32, #tpu.memory_space<vmem>>, vector<1x1x16xf32>,
        %swap3A_555 = vector.shape_cast %swap3A_554 : vector<1x1x16xf32> to vector<16xf32>
        %swap3A_556 = vector.shape_cast %add3A_549 : vector<16xf32> to vector<1x1x16xf32>
        tpu.vector_store %arg8[%swap3A_551, %swap3A_552, %swap3A_553], %swap3A_556 {strides = array<i32>} : memref<2x128x128xf32, #tpu.memory_space<vmem>>, vector<1x1x16xf32>,
        %get3A_557 = arith.constant 2 : i32
        %get3A_558 = arith.index_cast %get3A_557 : i32 to index
        %get3A_559 = arith.index_cast %scan3A_528 : i32 to index
        %get3A_560 = arith.constant 32 : index
        %get3A_561 = tpu.vector_load %arg7[%get3A_558, %get3A_559, %get3A_560] {strides = array<i32>} : memref<4x128x128xf32, #tpu.memory_space<vmem>>, vector<1x1x16xf32>,
        %get3A_562 = vector.shape_cast %get3A_561 : vector<1x1x16xf32> to vector<16xf32>
        %add3A_563 = arith.addf %get3A_562, %get3A_347 : vector<16xf32>
        %swap3A_564 = arith.constant 1 : i32
        %swap3A_565 = arith.index_cast %swap3A_564 : i32 to index
        %swap3A_566 = arith.index_cast %scan3A_528 : i32 to index
        %swap3A_567 = arith.constant 32 : index
        %swap3A_568 = tpu.vector_load %arg8[%swap3A_565, %swap3A_566, %swap3A_567] {strides = array<i32>} : memref<2x128x128xf32, #tpu.memory_space<vmem>>, vector<1x1x16xf32>,
        %swap3A_569 = vector.shape_cast %swap3A_568 : vector<1x1x16xf32> to vector<16xf32>
        %swap3A_570 = vector.shape_cast %add3A_563 : vector<16xf32> to vector<1x1x16xf32>
        tpu.vector_store %arg8[%swap3A_565, %swap3A_566, %swap3A_567], %swap3A_570 {strides = array<i32>} : memref<2x128x128xf32, #tpu.memory_space<vmem>>, vector<1x1x16xf32>,
        %get3A_571 = arith.constant 2 : i32
        %get3A_572 = arith.index_cast %get3A_571 : i32 to index
        %get3A_573 = arith.index_cast %scan3A_528 : i32 to index
        %get3A_574 = arith.constant 48 : index
        %get3A_575 = tpu.vector_load %arg7[%get3A_572, %get3A_573, %get3A_574] {strides = array<i32>} : memref<4x128x128xf32, #tpu.memory_space<vmem>>, vector<1x1x16xf32>,
        %get3A_576 = vector.shape_cast %get3A_575 : vector<1x1x16xf32> to vector<16xf32>
        %add3A_577 = arith.addf %get3A_576, %get3A_356 : vector<16xf32>
        %swap3A_578 = arith.constant 1 : i32
        %swap3A_579 = arith.index_cast %swap3A_578 : i32 to index
        %swap3A_580 = arith.index_cast %scan3A_528 : i32 to index
        %swap3A_581 = arith.constant 48 : index
        %swap3A_582 = tpu.vector_load %arg8[%swap3A_579, %swap3A_580, %swap3A_581] {strides = array<i32>} : memref<2x128x128xf32, #tpu.memory_space<vmem>>, vector<1x1x16xf32>,
        %swap3A_583 = vector.shape_cast %swap3A_582 : vector<1x1x16xf32> to vector<16xf32>
        %swap3A_584 = vector.shape_cast %add3A_577 : vector<16xf32> to vector<1x1x16xf32>
        tpu.vector_store %arg8[%swap3A_579, %swap3A_580, %swap3A_581], %swap3A_584 {strides = array<i32>} : memref<2x128x128xf32, #tpu.memory_space<vmem>>, vector<1x1x16xf32>,
        %get3A_585 = arith.constant 3 : i32
        %get3A_586 = arith.index_cast %get3A_585 : i32 to index
        %get3A_587 = arith.index_cast %scan3A_528 : i32 to index
        %get3A_588 = arith.constant 0 : index
        %get3A_589 = tpu.vector_load %arg7[%get3A_586, %get3A_587, %get3A_588] {strides = array<i32>} : memref<4x128x128xf32, #tpu.memory_space<vmem>>, vector<1x1x16xf32>,
        %get3A_590 = vector.shape_cast %get3A_589 : vector<1x1x16xf32> to vector<16xf32>
        %add3A_591 = arith.addf %get3A_590, %get3A_365 : vector<16xf32>
        %swap3A_592 = arith.constant 1 : i32
        %swap3A_593 = arith.index_cast %swap3A_592 : i32 to index
        %swap3A_594 = arith.index_cast %scan3A_528 : i32 to index
        %swap3A_595 = arith.constant 64 : index
        %swap3A_596 = tpu.vector_load %arg8[%swap3A_593, %swap3A_594, %swap3A_595] {strides = array<i32>} : memref<2x128x128xf32, #tpu.memory_space<vmem>>, vector<1x1x16xf32>,
        %swap3A_597 = vector.shape_cast %swap3A_596 : vector<1x1x16xf32> to vector<16xf32>
        %swap3A_598 = vector.shape_cast %add3A_591 : vector<16xf32> to vector<1x1x16xf32>
        tpu.vector_store %arg8[%swap3A_593, %swap3A_594, %swap3A_595], %swap3A_598 {strides = array<i32>} : memref<2x128x128xf32, #tpu.memory_space<vmem>>, vector<1x1x16xf32>,
        %get3A_599 = arith.constant 3 : i32
        %get3A_600 = arith.index_cast %get3A_599 : i32 to index
        %get3A_601 = arith.index_cast %scan3A_528 : i32 to index
        %get3A_602 = arith.constant 16 : index
        %get3A_603 = tpu.vector_load %arg7[%get3A_600, %get3A_601, %get3A_602] {strides = array<i32>} : memref<4x128x128xf32, #tpu.memory_space<vmem>>, vector<1x1x16xf32>,
        %get3A_604 = vector.shape_cast %get3A_603 : vector<1x1x16xf32> to vector<16xf32>
        %add3A_605 = arith.addf %get3A_604, %get3A_374 : vector<16xf32>
        %swap3A_606 = arith.constant 1 : i32
        %swap3A_607 = arith.index_cast %swap3A_606 : i32 to index
        %swap3A_608 = arith.index_cast %scan3A_528 : i32 to index
        %swap3A_609 = arith.constant 80 : index
        %swap3A_610 = tpu.vector_load %arg8[%swap3A_607, %swap3A_608, %swap3A_609] {strides = array<i32>} : memref<2x128x128xf32, #tpu.memory_space<vmem>>, vector<1x1x16xf32>,
        %swap3A_611 = vector.shape_cast %swap3A_610 : vector<1x1x16xf32> to vector<16xf32>
        %swap3A_612 = vector.shape_cast %add3A_605 : vector<16xf32> to vector<1x1x16xf32>
        tpu.vector_store %arg8[%swap3A_607, %swap3A_608, %swap3A_609], %swap3A_612 {strides = array<i32>} : memref<2x128x128xf32, #tpu.memory_space<vmem>>, vector<1x1x16xf32>,
        %get3A_613 = arith.constant 3 : i32
        %get3A_614 = arith.index_cast %get3A_613 : i32 to index
        %get3A_615 = arith.index_cast %scan3A_528 : i32 to index
        %get3A_616 = arith.constant 32 : index
        %get3A_617 = tpu.vector_load %arg7[%get3A_614, %get3A_615, %get3A_616] {strides = array<i32>} : memref<4x128x128xf32, #tpu.memory_space<vmem>>, vector<1x1x16xf32>,
        %get3A_618 = vector.shape_cast %get3A_617 : vector<1x1x16xf32> to vector<16xf32>
        %add3A_619 = arith.addf %get3A_618, %get3A_383 : vector<16xf32>
        %swap3A_620 = arith.constant 1 : i32
        %swap3A_621 = arith.index_cast %swap3A_620 : i32 to index
        %swap3A_622 = arith.index_cast %scan3A_528 : i32 to index
        %swap3A_623 = arith.constant 96 : index
        %swap3A_624 = tpu.vector_load %arg8[%swap3A_621, %swap3A_622, %swap3A_623] {strides = array<i32>} : memref<2x128x128xf32, #tpu.memory_space<vmem>>, vector<1x1x16xf32>,
        %swap3A_625 = vector.shape_cast %swap3A_624 : vector<1x1x16xf32> to vector<16xf32>
        %swap3A_626 = vector.shape_cast %add3A_619 : vector<16xf32> to vector<1x1x16xf32>
        tpu.vector_store %arg8[%swap3A_621, %swap3A_622, %swap3A_623], %swap3A_626 {strides = array<i32>} : memref<2x128x128xf32, #tpu.memory_space<vmem>>, vector<1x1x16xf32>,
        %get3A_627 = arith.constant 3 : i32
        %get3A_628 = arith.index_cast %get3A_627 : i32 to index
        %get3A_629 = arith.index_cast %scan3A_528 : i32 to index
        %get3A_630 = arith.constant 48 : index
        %get3A_631 = tpu.vector_load %arg7[%get3A_628, %get3A_629, %get3A_630] {strides = array<i32>} : memref<4x128x128xf32, #tpu.memory_space<vmem>>, vector<1x1x16xf32>,
        %get3A_632 = vector.shape_cast %get3A_631 : vector<1x1x16xf32> to vector<16xf32>
        %add3A_633 = arith.addf %get3A_632, %get3A_392 : vector<16xf32>
        %swap3A_634 = arith.constant 1 : i32
        %swap3A_635 = arith.index_cast %swap3A_634 : i32 to index
        %swap3A_636 = arith.index_cast %scan3A_528 : i32 to index
        %swap3A_637 = arith.constant 112 : index
        %swap3A_638 = tpu.vector_load %arg8[%swap3A_635, %swap3A_636, %swap3A_637] {strides = array<i32>} : memref<2x128x128xf32, #tpu.memory_space<vmem>>, vector<1x1x16xf32>,
        %swap3A_639 = vector.shape_cast %swap3A_638 : vector<1x1x16xf32> to vector<16xf32>
        %swap3A_640 = vector.shape_cast %add3A_633 : vector<16xf32> to vector<1x1x16xf32>
        tpu.vector_store %arg8[%swap3A_635, %swap3A_636, %swap3A_637], %swap3A_640 {strides = array<i32>} : memref<2x128x128xf32, #tpu.memory_space<vmem>>, vector<1x1x16xf32>,
      }
      %scan3A_398 = arith.constant 128 : i32
      %mul3A_399 = arith.constant 128 : i32
      %mul3A_400 = arith.muli %add3A_273, %mul3A_399 : i32
      %dma_start3A_401 = arith.constant 1 : i32
      %dma_start3A_402 = arith.constant 1 : i32
      %dma_start3A_403 = arith.constant 0 : i32
      %dma_start3A_404 = arith.constant 0 : i32
      %dma_start3A_405 = tpu.memref_slice %arg8[%dma_start3A_401, %dma_start3A_403, %dma_start3A_404] : memref<2x128x128xf32, #tpu.memory_space<vmem>> -> memref<1x128x128xf32, #tpu.memory_space<vmem>>
      %dma_start3A_406 = tpu.memref_squeeze %dma_start3A_405 : memref<1x128x128xf32, #tpu.memory_space<vmem>> -> memref<128x128xf32, #tpu.memory_space<vmem>>
      %dma_start3A_407 = tpu.memref_slice %arg5[%mul3A_2, %mul3A_400] : memref<4096x12800xf32, #tpu.memory_space<hbm>> -> memref<128x128xf32, #tpu.memory_space<hbm>>
      %dma_start3A_408 = tpu.memref_slice %arg12[%dma_start3A_402] : memref<2x!tpu.dma_semaphore, #tpu.memory_space<semaphore_mem>> -> memref<1x!tpu.dma_semaphore, #tpu.memory_space<semaphore_mem>>
      %dma_start3A_409 = tpu.memref_squeeze %dma_start3A_408 : memref<1x!tpu.dma_semaphore, #tpu.memory_space<semaphore_mem>> -> memref<!tpu.dma_semaphore, #tpu.memory_space<semaphore_mem>>
      %dma_start3A_410 = tpu.memref_slice %arg5[%mul3A_2, %mul3A_400] : memref<4096x12800xf32, #tpu.memory_space<hbm>> -> memref<128x128xf32, #tpu.memory_space<hbm>>
      %dma_start3A_411 = arith.constant 0 : i32
      %dma_start3A_412 = arith.constant 0 : i32
      %dma_start3A_413 = tpu.memref_slice %arg8[%dma_start3A_401, %dma_start3A_411, %dma_start3A_412] : memref<2x128x128xf32, #tpu.memory_space<vmem>> -> memref<1x128x128xf32, #tpu.memory_space<vmem>>
      %dma_start3A_414 = tpu.memref_squeeze %dma_start3A_413 : memref<1x128x128xf32, #tpu.memory_space<vmem>> -> memref<128x128xf32, #tpu.memory_space<vmem>>
      tpu.enqueue_dma source(%dma_start3A_414 : memref<128x128xf32, #tpu.memory_space<vmem>>) target(%dma_start3A_410 : memref<128x128xf32, #tpu.memory_space<hbm>>) target_semaphore(%dma_start3A_409 : memref<!tpu.dma_semaphore, #tpu.memory_space<semaphore_mem>>)
    }
    %scan3A_97 = arith.constant 50 : i32
    %dma_wait3A_98 = arith.constant 0 : i32
    %dma_wait3A_99 = arith.constant 0 : i32
    %dma_wait3A_100 = arith.constant 0 : i32
    %dma_wait3A_101 = arith.constant 0 : i32
    %dma_wait3A_102 = tpu.memref_slice %arg8[%dma_wait3A_98, %dma_wait3A_100, %dma_wait3A_101] : memref<2x128x128xf32, #tpu.memory_space<vmem>> -> memref<1x128x128xf32, #tpu.memory_space<vmem>>
    %dma_wait3A_103 = tpu.memref_squeeze %dma_wait3A_102 : memref<1x128x128xf32, #tpu.memory_space<vmem>> -> memref<128x128xf32, #tpu.memory_space<vmem>>
    %dma_wait3A_104 = arith.constant 12544 : i32
    %dma_wait3A_105 = tpu.memref_slice %arg5[%mul3A_2, %dma_wait3A_104] : memref<4096x12800xf32, #tpu.memory_space<hbm>> -> memref<128x128xf32, #tpu.memory_space<hbm>>
    %dma_wait3A_106 = tpu.memref_slice %arg12[%dma_wait3A_99] : memref<2x!tpu.dma_semaphore, #tpu.memory_space<semaphore_mem>> -> memref<1x!tpu.dma_semaphore, #tpu.memory_space<semaphore_mem>>
    %dma_wait3A_107 = tpu.memref_squeeze %dma_wait3A_106 : memref<1x!tpu.dma_semaphore, #tpu.memory_space<semaphore_mem>> -> memref<!tpu.dma_semaphore, #tpu.memory_space<semaphore_mem>>
    %dma_wait3A_108 = arith.constant 12544 : i32
    %dma_wait3A_109 = tpu.memref_slice %arg5[%mul3A_2, %dma_wait3A_108] : memref<4096x12800xf32, #tpu.memory_space<hbm>> -> memref<128x128xf32, #tpu.memory_space<hbm>>
    %dma_wait3A_110 = arith.constant 0 : i32
    %dma_wait3A_111 = arith.constant 0 : i32
    %dma_wait3A_112 = tpu.memref_slice %arg8[%dma_wait3A_98, %dma_wait3A_110, %dma_wait3A_111] : memref<2x128x128xf32, #tpu.memory_space<vmem>> -> memref<1x128x128xf32, #tpu.memory_space<vmem>>
    %dma_wait3A_113 = tpu.memref_squeeze %dma_wait3A_112 : memref<1x128x128xf32, #tpu.memory_space<vmem>> -> memref<128x128xf32, #tpu.memory_space<vmem>>
    tpu.wait_dma2 semaphore(%dma_wait3A_107 : memref<!tpu.dma_semaphore, #tpu.memory_space<semaphore_mem>>) src(%dma_wait3A_113 : memref<128x128xf32, #tpu.memory_space<vmem>>) dst(%dma_wait3A_109 : memref<128x128xf32, #tpu.memory_space<hbm>>)
    %dma_wait3A_114 = arith.constant 1 : i32
    %dma_wait3A_115 = arith.constant 1 : i32
    %dma_wait3A_116 = arith.constant 0 : i32
    %dma_wait3A_117 = arith.constant 0 : i32
    %dma_wait3A_118 = tpu.memref_slice %arg8[%dma_wait3A_114, %dma_wait3A_116, %dma_wait3A_117] : memref<2x128x128xf32, #tpu.memory_space<vmem>> -> memref<1x128x128xf32, #tpu.memory_space<vmem>>
    %dma_wait3A_119 = tpu.memref_squeeze %dma_wait3A_118 : memref<1x128x128xf32, #tpu.memory_space<vmem>> -> memref<128x128xf32, #tpu.memory_space<vmem>>
    %dma_wait3A_120 = arith.constant 12672 : i32
    %dma_wait3A_121 = tpu.memref_slice %arg5[%mul3A_2, %dma_wait3A_120] : memref<4096x12800xf32, #tpu.memory_space<hbm>> -> memref<128x128xf32, #tpu.memory_space<hbm>>
    %dma_wait3A_122 = tpu.memref_slice %arg12[%dma_wait3A_115] : memref<2x!tpu.dma_semaphore, #tpu.memory_space<semaphore_mem>> -> memref<1x!tpu.dma_semaphore, #tpu.memory_space<semaphore_mem>>
    %dma_wait3A_123 = tpu.memref_squeeze %dma_wait3A_122 : memref<1x!tpu.dma_semaphore, #tpu.memory_space<semaphore_mem>> -> memref<!tpu.dma_semaphore, #tpu.memory_space<semaphore_mem>>
    %dma_wait3A_124 = arith.constant 12672 : i32
    %dma_wait3A_125 = tpu.memref_slice %arg5[%mul3A_2, %dma_wait3A_124] : memref<4096x12800xf32, #tpu.memory_space<hbm>> -> memref<128x128xf32, #tpu.memory_space<hbm>>
    %dma_wait3A_126 = arith.constant 0 : i32
    %dma_wait3A_127 = arith.constant 0 : i32
    %dma_wait3A_128 = tpu.memref_slice %arg8[%dma_wait3A_114, %dma_wait3A_126, %dma_wait3A_127] : memref<2x128x128xf32, #tpu.memory_space<vmem>> -> memref<1x128x128xf32, #tpu.memory_space<vmem>>
    %dma_wait3A_129 = tpu.memref_squeeze %dma_wait3A_128 : memref<1x128x128xf32, #tpu.memory_space<vmem>> -> memref<128x128xf32, #tpu.memory_space<vmem>>
    tpu.wait_dma2 semaphore(%dma_wait3A_123 : memref<!tpu.dma_semaphore, #tpu.memory_space<semaphore_mem>>) src(%dma_wait3A_129 : memref<128x128xf32, #tpu.memory_space<vmem>>) dst(%dma_wait3A_125 : memref<128x128xf32, #tpu.memory_space<hbm>>)
    return
  }
}

</mosaic_0001>

<sc_bundles>
// kernel: _run.3.cloned.1.call-start
scs
__scs_entry_jumppad:
0x0: {  	(pc) =	sbr.rel $0x88, $3  }
0x1: {  	(tag) =	ssettag $0x0;
	lr =	simm.s32 $0x1  }
0x2: {  	[smem:$0x3F9E] =	sst lr;
	_ =	strace $0xD0000000  }
0x3: {  	_ = 	snop  }
0x4: {  	_ = 	snop  }
0x5: {  	_ = 	snop  }
0x6: {  	_ = 	snop  }
0x7: {  	_ = 	snop  }
__scs_overlays_trampoline_lowered:
0x8: {  	[smem:$0x3FAD] =	sst s0  }
0x9: {  	[smem:$0x3FAE] =	sst s1  }
0xa: {  	[smem:$0x3FAF] =	sst s2  }
0xb: {  	[smem:$0x3FB0] =	sst s3  }
0xc: {  	[smem:$0x3FB1] =	sst s4  }
0xd: {  	[smem:$0x3FB2] =	sst s5  }
0xe: {  	[smem:$0x3FB3] =	sst s6  }
0xf: {  	[smem:$0x3FB4] =	sst s7  }
0x10: {  	[smem:$0x3FB5] =	sst s8  }
0x11: {  	[smem:$0x3FB6] =	sst s9;
	s0 =	simm.s32 @!p0 $0x0  }
0x12: {  	s1 =	sld [smem:$0x3F9C];
	s0 =	simm.s32 @p0 $0x1  }
0x13: {  	[smem:$0x3FB7] =	sst s0;
	s0 =	simm.s32 @!p1 $0x0  }
0x14: {  	s2 =	sld [smem:$0x3F9B];
	s0 =	simm.s32 @p1 $0x1  }
0x15: {  	[smem:$0x3FB8] =	sst s0;
	s0 =	simm.s32 @!p2 $0x0  }
0x16: {  	s3 =	sld [smem:$0x3FDB];
	s0 =	simm.s32 @p2 $0x1  }
0x17: {  	s4 =	simm.s32 $0x1BF5;
	[smem:$0x3FBA] =	sst s0  }
0x18: {  	s0 =	sld [smem:$0x3F9D];
	_ =	swait.ge [sflag:s4], $0x0  }
0x19: {  	s7 =	sld [smem:$0x3F9E]  }
0x1a: {  	s8 =	sadd.s32 $0xFFFFE003, lr  }
0x1b: {  	s9 =	sadd.s32 $0xFFFFFEF7, lr;
	s5 =	simm.s32 $0xFFFFFFFF;
	p2 =	slt.u32 s8, $0xFFFFF086  }
0x1c: {  	p1 =	slt.u32 s9, $0xF7A;
	s5 =	simm.s32 @!p2 $0x0  }
0x1d: {  	s5 =	simm.s32 @p1 $0x1;
	p0 =	seq.s32 s7, s2  }
0x1e: {  	s7 =	smul.u32 @!p0 $0xF7A, s2;
	p2 =	seq.s32 @!p0 s5, $0x0  }
0x1f: {  	s9 =	smul.u32 $0xF7A, s1;
	s8 =	simm.s32 @!p0 $0x1BF5;
	p2 =	por !p2, p0  }
0x20: {  	[sflag:s8] =	ssyncset.s32 @!p0 $0xFFFFF086;
	s6 =	sadd.s32 @!p0 s3, s7;
	s7 =	simm.s32 @!p0 $0x108  }
0x21: {  	s3 =	sadd.s32 s3, s9;
	s6 =	sadd.s32 @!p0 $0x88, s6;
	s7 =	simm.s32 @p2 $0x1082  }
0x22: {  	[simem:s7], [sflag:s8] =	dma.local @!p0 [hbm:s6], $0xF7A  }
0x23: {  	s9 =	sor.u32 $0xD0000000, s2;
	s6 =	simm.s32 $0x108;
	_ =	swait.ge @!p0 [sflag:s8], $0x0  }
0x24: {  	s3 =	sadd.s32 $0x88, s3;
	s6 =	simm.s32 @!p1 $0x1082;
	[sflag:s4] =	ssyncset.s32 $0xFFFFF086  }
0x25: {  	[simem:s6], [sflag:s4] =	dma.local [hbm:s3], $0xF7A  }
0x26: {  	[smem:$0x3F9E] =	sst s1;
	(tag) =	ssettag s2;
	_ =	strace s9  }
0x27: {  	s1 =	sld [smem:$0x3FAE]  }
0x28: {  	s2 =	sld [smem:$0x3FAF]  }
0x29: {  	s4 =	sld [smem:$0x3FB1]  }
0x2a: {  	p0 =	seq.s32 s5, $0x0;
	s5 =	sld [smem:$0x3FB2]  }
0x2b: {  	s6 =	sld [smem:$0x3FB3]  }
0x2c: {  	s7 =	sld [smem:$0x3FB4]  }
0x2d: {  	s3 =	simm.s32 $0x108;
	s8 =	sld [smem:$0x3FB5]  }
0x2e: {  	s3 =	simm.s32 @!p0 $0x1082;
	s9 =	sld [smem:$0x3FB6]  }
0x2f: {  	lr =	sadd.s32 s0, s3;
	s0 =	sld [smem:$0x3FAD]  }
0x30: {  	s3 =	sld [smem:$0x3FB0]  }
0x31: {  	[smem:$0x3FB9] =	sst s10  }
0x32: {  	s10 =	sld [smem:$0x3FB7];
	_ =	sdelay $0x3  }
0x33: {  	p0 =	seq.s32 s10, $0x1;
	s10 =	sld [smem:$0x3FB9];
	_ =	sdelay $0x3  }
0x34: {  	[smem:$0x3FB9] =	sst s10  }
0x35: {  	s10 =	sld [smem:$0x3FB8];
	_ =	sdelay $0x3  }
0x36: {  	p1 =	seq.s32 s10, $0x1;
	s10 =	sld [smem:$0x3FB9];
	_ =	sdelay $0x3  }
0x37: {  	[smem:$0x3FB9] =	sst s10  }
0x38: {  	s10 =	sld [smem:$0x3FBA]  }
0x39: {  	_ = 	snop;
	(pc) =	sbr.ind lr, $3  }
0x3a: {  	_ = 	snop  }
0x3b: {  	_ = 	snop  }
0x3c: {  	p2 =	seq.s32 s10, $0x1;
	s10 =	sld [smem:$0x3FB9]  }
0x3d: {  	_ =	shalt  }
0x3e: {  	_ =	shalt  }
0x3f: {  	_ =	shalt  }
0x40: {  	_ =	shalt  }
0x41: {  	_ =	shalt  }
0x42: {  	_ =	shalt  }
0x43: {  	_ =	shalt  }
0x44: {  	_ =	shalt  }
0x45: {  	_ =	shalt  }
0x46: {  	_ =	shalt  }
0x47: {  	_ =	shalt  }
0x48: {  	_ =	shalt  }
0x49: {  	_ =	shalt  }
0x4a: {  	_ =	shalt  }
0x4b: {  	_ =	shalt  }
0x4c: {  	_ =	shalt  }
0x4d: {  	_ =	shalt  }
0x4e: {  	_ =	shalt  }
0x4f: {  	_ =	shalt  }
0x50: {  	_ =	shalt  }
0x51: {  	_ =	shalt  }
0x52: {  	_ =	shalt  }
0x53: {  	_ =	shalt  }
0x54: {  	_ =	shalt  }
0x55: {  	_ =	shalt  }
0x56: {  	_ =	shalt  }
0x57: {  	_ =	shalt  }
0x58: {  	_ =	shalt  }
0x59: {  	_ =	shalt  }
0x5a: {  	_ =	shalt  }
0x5b: {  	_ =	shalt  }
0x5c: {  	_ =	shalt  }
0x5d: {  	_ =	shalt  }
0x5e: {  	_ =	shalt  }
0x5f: {  	_ =	shalt  }
0x60: {  	_ =	shalt  }
0x61: {  	_ =	shalt  }
0x62: {  	_ =	shalt  }
0x63: {  	_ =	shalt  }
0x64: {  	_ =	shalt  }
0x65: {  	_ =	shalt  }
0x66: {  	_ =	shalt  }
0x67: {  	_ =	shalt  }
0x68: {  	_ =	shalt  }
0x69: {  	_ =	shalt  }
0x6a: {  	_ =	shalt  }
0x6b: {  	_ =	shalt  }
0x6c: {  	_ =	shalt  }
0x6d: {  	_ =	shalt  }
0x6e: {  	_ =	shalt  }
0x6f: {  	_ =	shalt  }
0x70: {  	_ =	shalt  }
0x71: {  	_ =	shalt  }
0x72: {  	_ =	shalt  }
0x73: {  	_ =	shalt  }
0x74: {  	_ =	shalt  }
0x75: {  	_ =	shalt  }
0x76: {  	_ =	shalt  }
0x77: {  	_ =	shalt  }
0x78: {  	_ =	shalt  }
0x79: {  	_ =	shalt  }
0x7a: {  	_ =	shalt  }
0x7b: {  	_ =	shalt  }
0x7c: {  	_ =	shalt  }
0x7d: {  	_ =	shalt  }
0x7e: {  	_ =	shalt  }
0x7f: {  	_ =	shalt  }
0x80: {  	_ =	shalt  }
0x81: {  	_ =	shalt  }
0x82: {  	_ =	shalt  }
0x83: {  	_ =	shalt  }
0x84: {  	_ =	shalt  }
0x85: {  	_ =	shalt  }
0x86: {  	_ =	shalt  }
0x87: {  	_ =	shalt  }
.Lfunc_end0:
.L_simem_size_0:
called_computation_lowered:
.L_overlay_start_0:
0x88: {  	s2 =	sld [smem:$0x3FD9]  }
0x89: {  	s3 =	sld [smem:$0x3FFE];
	_ =	sdelay $0x1  }
0x8a: {  	s1 =	srdreg.scid  }
0x8b: {  	s0 =	sand.u32 $0x1, s1  }
0x8c: {  	s17 =	sshll.u32 s0, $0xA;
	s2 =	sadd.s32 s3, s2  }
0x8d: {  	s2 =	sadd.s32 s2, s17  }
0x8e: {  	[smem:$0x3FC5] =	sst s2  }
0x8f: {  	_ = 	snop  }
0x90: {  	s2 =	sld [smem:$0x3FC9]  }
0x91: {  	s18 =	sld [smem:$0x3FC8]  }
0x92: {  	s4 =	sld [smem:$0x3FC7];
	(tm) =	ssettm $0x1  }
0x93: {  	s5 =	sld [smem:$0x3FFB];
	_ =	sdelay $0x3  }
0x94: {  	_ =	strace s5  }
0x95: {  	s5 =	sld [smem:$0x3FFC];
	_ =	sdelay $0x3  }
0x96: {  	_ =	strace s5  }
0x97: {  	s5 =	sld [smem:$0x3FFD];
	_ =	sdelay $0x3  }
0x98: {  	_ =	strace s5  }
0x99: {  	_ =	strace $0x8FFFFFFF  }
0x9a: {  	s19 =	sld [smem:$0x3FDB];
	_ =	sdelay $0x1  }
0x9b: {  	s6 =	simm.s32 $_scs_section_size  }
0x9c: {  	s7 =	simm.s32 $_size__tile_overlayer_lowered;
	s8 =	simm.s32 $_tile_overlayer_lowered  }
0x9d: {  	s22 =	simm.s32 $0x1BFF;
	s21 =	sshll.u32 s8, $0x1;
	s5 =	sadd.s32 s6, s19  }
0x9e: {  	s9 =	simm.s32 $0x0;
	s20 =	sshll.u32 s7, $0x1;
	s7 =	sadd.s32 s21, s5  }
0x9f: {  	[timem:s9], [sflag:s22] =	dma.local [hbm:s7], s20  }
0xa0: {  	_ =	swait.ge [sflag:s22], s20  }
0xa1: {  	s6 =	ssub.s32 $0x0, s20;
	[sflag:s22] =	ssyncset.done $0x0  }
0xa2: {  	[sflag:s22] =	ssyncadd.s32 s6;
	_ =	sdelay $0x1  }
0xa3: {  	s23 =	simm.s32 $0x1B8B  }
0xa4: {  	_ =	swait.ge [sflag:s23], $0x1  }
0xa5: {  	[sflag:s23] =	ssyncset.done $0x0  }
0xa6: {  	s25 =	simm.s32 $0x1B8E;
	s24 =	sld [smem:$0x3FFE];
	[sflag:s23] =	ssyncadd.s32 $0xFFFFFFFF  }
0xa7: {  	s26 =	simm.s32 $execute0_lowered;
	[smem:$0x3FD2] =	sst s25  }
0xa8: {  	s7 =	sshll.u32 s26, $0x1;
	_ =	strace $0x80000046;
	[dreg:$0x1] =	wrdreg $0xFFFFFFFF  }
0xa9: {  	s28 =	simm.s32 $_size_execute0_lowered;
	s5 =	sadd.s32 s5, s7;
	[dreg:$0x0] =	wrdreg $0x0  }
0xaa: {  	s7 =	sshll.u32 s28, $0x1;
	[dreg:$0x2] =	wrdreg s5  }
0xab: {  	[dreg:$0x3] =	wrdreg s7  }
0xac: {  	[dreg:$0x4] =	wrdreg $0xC0  }
0xad: {  	_ =	task [dreg:s9], $0x5FFFF  }
0xae: {  	[dreg:$0x1] =	wrdreg $0xFFFFFFFF  }
0xaf: {  	[dreg:$0x0] =	wrdreg $0x60  }
0xb0: {  	[dreg:$0x2] =	wrdreg s2  }
0xb1: {  	[dreg:$0x3] =	wrdreg s18  }
0xb2: {  	[dreg:$0x4] =	wrdreg s4  }
0xb3: {  	[dreg:$0x5] =	wrdreg s24  }
0xb4: {  	[dreg:$0x6] =	wrdreg $0x9  }
0xb5: {  	_ =	task.clear_ibuf [dreg:s9], $0x7FFFF;
	_ =	strace $0x90000046  }
0xb6: {  	s29 =	simm.s32 $0x9;
	_ =	strace $0x80000048  }
0xb7: {  	_ =	swait.ge [sflag:s29], $0x1  }
0xb8: {  	[sflag:s29] =	ssyncadd.s32 $0xFFFFFFFF  }
0xb9: {  	_ =	strace $0x90000048  }
0xba: {  	_ =	sfence  }
0xbb: {  	s30 =	sld [smem:$0x0];
	_ =	sdelay $0x2  }
0xbc: {  	s31 =	sshll.u32 s1, $0xD;
	s1 =	sshrl.u32 s1, $0x2  }
0xbd: {  	s3 =	sand.u32 $0x4000, s31;
	s1 =	sadd.s32 s1, s30  }
0xbe: {  	s0 =	sor.u32 s3, s0;
	s1 =	sshll.u32 s1, $0x11  }
0xbf: {  	s0 =	sor.u32 s1, s0  }
0xc0: {  	s0 =	sadd.s32 $0x8F2B, s0  }
0xc1: {  	[sflag:s0] =	ssyncadd.remote.s32 $0x1  }
0xc2: {  	_ =	sfence.sel $0xFFFF  }
0xc3: {  	[dreg:$0x0] =	wrdreg $0xFFFFFFFF;
	(pc) =	sbr.abs _section_cstart, $3  }
0xc4: {  	[dreg:$0x1] =	wrdreg $0xFFFFFFFF  }
0xc5: {  	_ =	task.clear_ibuf [dreg:s9], $0x2FFFF;
	_ =	strace $0x9FFFFFFF  }
0xc6: {  	(tm) =	ssettm $0x7FFFFFFF  }
0xc7: {  	_ =	shalt  }
tec
execute0_lowered:
.L_overlay_start_1:
0x0: {  	(tag) =	ssettag $0x1  }
0x1: {  	s1 =	rddreg [dreg:$0x0];
	s0 =	srdreg.scid  }
0x2: {  	s4 =	rddreg [dreg:$0x2];
	s3 =	stileid.u32  }
0x3: {  	s2 =	rddreg [dreg:$0x3];
	s5 =	simm.s32 $0x0;
	s17 =	simm.s32 $0x1  }
0x4: {  	s18 =	simm.s32 $0x100;
	s19 =	simm.s32 $0x2;
	s20 =	simm.s32 $0x80  }
0x5: {  	s21 =	simm.s32 $0x400;
	s23 =	simm.s32 $0x200;
	s28 =	simm.s32 $0x3  }
0x6: {  	s29 =	simm.s32 $0x4;
	s30 =	simm.s32 $0x8400;
	s31 =	simm.s32 $0xC400  }
0x7: {  	s15 =	simm.s32 $0x8;
	s10 =	simm.s32 $0x0;
	s0 =	sand.u32 $0x1, s0  }
0x8: {  	s3 =	sshll.u32 s3, $0x8;
	[smem:$0x7FF] =	sst s5;
	s6 =	sshll.u32 s0, $0x7  }
0x9: {  	s7 =	sadd.s32 $0x400, s2;
	s0 =	ssub.s32 $0x2, s0;
	s3 =	sor.u32 s6, s3  }
0xa: {  	s2 =	simm.s32 $0x7;
	s8 =	sshrl.u32 s0, $0x1;
	s6 =	sshrl.u32 s3, $0x3  }
0xb: {  	_ =	strace $0x80000047;
	s0 =	ssub.s32 s0, s8;
	s9 =	sadd.s32 s1, s6  }
0xc: {  	s11 =	sor.u32 $0x4000, s3;
	s0 =	smax.u32 s0, $0x1;
	[dreg:$0x5] =	wrdreg s9  }
0xd: {  	s12 =	sor.u32 $0x5000, s3;
	s24 =	sadd.s32 $0x200, s9;
	[dreg:$0x9] =	wrdreg s0  }
0xe: {  	s3 =	simm.s32 $0x19000;
	s25 =	sadd.s32 $0x400, s9;
	[dreg:$0x6] =	wrdreg s24  }
0xf: {  	s8 =	simm.s32 $0x14400;
	s26 =	sadd.s32 $0x600, s9;
	[dreg:$0x7] =	wrdreg s25  }
0x10: {  	s13 =	smul.u32 $0x19000, s6;
	s0 =	simm.s32 $0x10400;
	[dreg:$0x8] =	wrdreg s26  }
0x11: {  	s24 =	simm.s32 $0x300;
	s25 =	simm.s32 $0x5;
	s26 =	simm.s32 $0x6  }
.LBB2_1:
0x12: {  	[dreg:$0xa] =	wrdreg s10  }
0x13: {  	s6 =	rddreg [dreg:$0x1];
	s9 =	simm.s32 $0x18400;
	s22 =	simm.s32 $0xB  }
0x14: {  	[tilespmem:s9], [sflag:$0xB] =	stream.linear.gather [hbm4b:s6+s5], $0x3200, $0x38;
	[tilespmem:$0x1B600] =	vst v63  }
0x15: {  	_ =	swait.ge [sflag:s22], $0x3200  }
0x16: {  	[sflag:s22] =	ssyncset.done $0x0  }
0x17: {  	s9 =	rddreg [dreg:$0x5];
	[sflag:s22] =	ssyncadd.s32 $0xFFFFCE00  }
0x18: {  	[tilespmem:s5], [sflag:$0x1] =	stream.linear.gather [hbm4b:s9+s5], $0x80, $0x38;
	[tilespmem:$0x1B600] =	vst v63  }
0x19: {  	_ =	swait.ge [sflag:s17], $0x80  }
0x1a: {  	[sflag:s17] =	ssyncset.done $0x0  }
0x1b: {  	s10 =	rddreg [dreg:$0x6];
	[sflag:s17] =	ssyncadd.s32 $0xFFFFFF80  }
0x1c: {  	[tilespmem:s18], [sflag:$0x2] =	stream.linear.gather [hbm4b:s10+s5], $0x80, $0x38;
	[tilespmem:$0x1B600] =	vst v63  }
0x1d: {  	_ =	swait.ge [sflag:s19], $0x80  }
0x1e: {  	[sflag:s19] =	ssyncset.done $0x0  }
0x1f: {  	[sflag:s19] =	ssyncadd.s32 $0xFFFFFF80  }
0x20: {  	[tilespmem:s21], [sflag:$0x5] =	stream.indirect.gather [hbm4b:s4+s20], $0x80, s5, s20, $0xb8;
	[tilespmem:$0x1B600] =	vst v63  }
0x21: {  	s14 =	simm.s32 $0x4400  }
0x22: {  	[tilespmem:s14], [sflag:$0x6] =	stream.indirect.gather [hbm4b:s4+s20], $0x80, s18, s20, $0xb8;
	[tilespmem:$0x1B600] =	vst v63  }
0x23: {  	s16 =	rddreg [dreg:$0x7]  }
0x24: {  	[tilespmem:s23], [sflag:$0x3] =	stream.linear.gather [hbm4b:s16+s5], $0x80, $0x38;
	[tilespmem:$0x1B600] =	vst v63  }
0x25: {  	s6 =	simm.s32 $0x0;
	s22 =	rddreg [dreg:$0x8]  }
0x26: {  	[tilespmem:s24], [sflag:$0x4] =	stream.linear.gather [hbm4b:s22+s5], $0x80, $0x38;
	[tilespmem:$0x1B600] =	vst v63  }
.LBB2_2:
0x27: {  	_ =	swait.ge [sflag:s25], $0x4000  }
0x28: {  	[sflag:s25] =	ssyncset.done $0x0  }
0x29: {  	[sflag:s25] =	ssyncadd.s32 $0xFFFFC000  }
0x2a: {  	_ =	swait.ge [sflag:s26], $0x4000  }
0x2b: {  	p0 =	seq.s32 s6, $0x0;
	[sflag:s26] =	ssyncset.done $0x0  }
0x2c: {  	s9 =	simm.s32 @!p0 $0x9;
	[sflag:s26] =	ssyncadd.s32 $0xFFFFC000  }
0x2d: {  	_ =	swait.ge @!p0 [sflag:s9], $0x4000  }
0x2e: {  	[sflag:s9] =	ssyncset.done @!p0 $0x0  }
0x2f: {  	[sflag:s9] =	ssyncadd.s32 @!p0 $0xFFFFC000  }
0x30: {  	_ =	swait.ge [sflag:s28], $0x80  }
0x31: {  	[sflag:s28] =	ssyncset.done $0x0  }
0x32: {  	[sflag:s28] =	ssyncadd.s32 $0xFFFFFF80  }
0x33: {  	p1 =	seq.s32 s6, $0x31;
	_ =	swait.ge [sflag:s29], $0x80  }
0x34: {  	s9 =	sshll.u32 @!p1 s6, $0xE;
	[sflag:s29] =	ssyncset.done $0x0  }
0x35: {  	s10 =	sadd.s32 @!p1 s11, s9;
	[sflag:s29] =	ssyncadd.s32 $0xFFFFFF80  }
0x36: {  	[tilespmem:s30], [sflag:$0x7] =	stream.indirect.gather [hbm4b:s4+s20], $0x80, s23, s20, $0xb8;
	[tilespmem:$0x1B600] =	vst v63  }
0x37: {  	s9 =	sadd.s32 @!p1 s12, s9;
	s10 =	sshrl.u32 @!p1 s10, $0x3  }
0x38: {  	[tilespmem:s31], [sflag:$0x8] =	stream.indirect.gather [hbm4b:s4+s20], $0x80, s24, s20, $0xb8;
	[tilespmem:$0x1B600] =	vst v63  }
0x39: {  	s14 =	simm.s32 @!p1 $0x0;
	s9 =	sshrl.u32 @!p1 s9, $0x3;
	s10 =	sadd.s32 @!p1 s1, s10  }
0x3a: {  	[tilespmem:s14], [sflag:$0x1] =	stream.linear.gather @!p1 [hbm4b:s10+s14], $0x80, $0x38;
	[tilespmem:$0x1B600] =	vst v63  }
0x3b: {  	s16 =	sshll.u32 s6, $0x8;
	s9 =	sadd.s32 @!p1 s1, s9;
	s10 =	simm.s32 @!p1 $0x100  }
0x3c: {  	[tilespmem:s10], [sflag:$0x2] =	stream.linear.gather @!p1 [hbm4b:s9+s14], $0x80, $0x38;
	[tilespmem:$0x1B600] =	vst v63  }
0x3d: {  	s9 =	sand.u32 $0x3FFFFF00, s16  }
0x3e: {  	v6 =	vld [tilespmem:s9+$0x18400]  }
0x3f: {  	v5 =	vld [tilespmem:s9+$0x18410]  }
0x40: {  	v4 =	vld [tilespmem:s9+$0x18420]  }
0x41: {  	v3 =	vld [tilespmem:s9+$0x18430]  }
0x42: {  	v2 =	vld [tilespmem:s9+$0x18440]  }
0x43: {  	v1 =	vld [tilespmem:s9+$0x18450]  }
0x44: {  	v0 =	vld [tilespmem:s9+$0x18460]  }
0x45: {  	v7 =	vld [tilespmem:s9+$0x18470];
	s9 =	simm.s32 $0x0  }
0x46: {  	v8 =	vld [tilespmem:s9+$0x44B0]  }
0x47: {  	v9 =	vld [tilespmem:s9+$0x400]  }
0x48: {  	v10 =	vld [tilespmem:s9+$0x410]  }
0x49: {  	v11 =	vld [tilespmem:s9+$0x420]  }
0x4a: {  	v12 =	vld [tilespmem:s9+$0x430]  }
0x4b: {  	v13 =	vld [tilespmem:s9+$0x4400];
	v8 =	vadd.f32 v8, v7  }
0x4c: {  	v14 =	vld [tilespmem:s9+$0x4410];
	v9 =	vadd.f32 v9, v6  }
0x4d: {  	v15 =	vld [tilespmem:s9+$0x4420];
	[tilespmem:s9+$0x104F0] =	vst v8;
	v8 =	vadd.f32 v10, v5  }
0x4e: {  	v16 =	vld [tilespmem:s9+$0x4430];
	[tilespmem:s9+$0x10400] =	vst v9;
	v9 =	vadd.f32 v11, v4  }
0x4f: {  	v17 =	vld [tilespmem:s9+$0x480];
	[tilespmem:s9+$0x10410] =	vst v8;
	v8 =	vadd.f32 v12, v3  }
0x50: {  	v10 =	vld [tilespmem:s9+$0x490];
	[tilespmem:s9+$0x10420] =	vst v9;
	v9 =	vadd.f32 v13, v2  }
0x51: {  	v11 =	vadd.f32 v14, v1;
	[tilespmem:s9+$0x10430] =	vst v8;
	v8 =	vld [tilespmem:s9+$0x4A0]  }
0x52: {  	v12 =	vadd.f32 v15, v0;
	[tilespmem:s9+$0x10440] =	vst v9;
	v9 =	vld [tilespmem:s9+$0x4B0]  }
0x53: {  	s22 =	sshll.u32 s6, $0x1;
	v14 =	vadd.f32 v16, v7;
	[tilespmem:s9+$0x10450] =	vst v11;
	v11 =	vld [tilespmem:s9+$0x4480]  }
0x54: {  	s16 =	sor.u32 $0x1, s22;
	s10 =	simm.s32 $0x0;
	s14 =	simm.s32 $0x400;
	v13 =	vadd.f32 v17, v6;
	[tilespmem:s9+$0x10460] =	vst v12;
	v12 =	vld [tilespmem:s9+$0x4490]  }
.LBB2_3:
0x55: {  	s22 =	sshra.s32 s14, $0x2;
	s10 =	sadd.s32 $0x2, s10;
	[tilespmem:s9+$0x10470] =	vst v14;
	v10 =	vadd.f32 v10, v5;
	v14 =	vld [tilespmem:s9+$0x44A0]  }
0x56: {  	v15 =	vld [tilespmem:s22+$0x44B0];
	p1 =	slt.u32 s10, $0x7E;
	[tilespmem:s9+$0x10480] =	vst v13;
	v8 =	vadd.f32 v8, v4  }
0x57: {  	v13 =	vld [tilespmem:s22+$0x400];
	[tilespmem:s9+$0x10490] =	vst v10;
	v9 =	vadd.f32 v9, v3  }
0x58: {  	v10 =	vld [tilespmem:s22+$0x410];
	[tilespmem:s9+$0x104A0] =	vst v8;
	v8 =	vadd.f32 v11, v2  }
0x59: {  	v11 =	vld [tilespmem:s22+$0x420];
	[tilespmem:s9+$0x104B0] =	vst v9;
	v9 =	vadd.f32 v12, v1  }
0x5a: {  	v12 =	vld [tilespmem:s22+$0x430];
	[tilespmem:s9+$0x104C0] =	vst v8;
	v8 =	vadd.f32 v14, v0  }
0x5b: {  	v14 =	vld [tilespmem:s22+$0x4400];
	v15 =	vadd.f32 v15, v7;
	[tilespmem:s9+$0x104D0] =	vst v9  }
0x5c: {  	v9 =	vadd.f32 v13, v6;
	v13 =	vld [tilespmem:s22+$0x4410];
	[tilespmem:s9+$0x104E0] =	vst v8;
	s9 =	smov.u32 s22  }
0x5d: {  	v8 =	vadd.f32 v10, v5;
	v16 =	vld [tilespmem:s9+$0x4420];
	[tilespmem:s9+$0x104F0] =	vst v15  }
0x5e: {  	[tilespmem:s9+$0x10400] =	vst v9;
	v9 =	vadd.f32 v11, v4;
	v11 =	vld [tilespmem:s9+$0x4430]  }
0x5f: {  	[tilespmem:s9+$0x10410] =	vst v8;
	v8 =	vadd.f32 v12, v3;
	v12 =	vld [tilespmem:s9+$0x480]  }
.Ltmp0:
0x60: {  	[tilespmem:s9+$0x10420] =	vst v9;
	v9 =	vadd.f32 v14, v2;
	v10 =	vld [tilespmem:s9+$0x490];
	(pc) =	sbr.rel @p1 .LBB2_3-.Ltmp0, $4  }
0x61: {  	[tilespmem:s9+$0x10430] =	vst v8;
	v13 =	vadd.f32 v13, v1;
	v8 =	vld [tilespmem:s9+$0x4A0]  }
0x62: {  	[tilespmem:s9+$0x10440] =	vst v9;
	v15 =	vadd.f32 v16, v0;
	v9 =	vld [tilespmem:s9+$0x4B0]  }
0x63: {  	[tilespmem:s9+$0x10450] =	vst v13;
	v14 =	vadd.f32 v11, v7;
	v11 =	vld [tilespmem:s9+$0x4480]  }
0x64: {  	s14 =	sadd.s32 $0x400, s14;
	[tilespmem:s9+$0x10460] =	vst v15;
	v13 =	vadd.f32 v12, v6;
	v12 =	vld [tilespmem:s9+$0x4490]  }
0x65: {  	[tilespmem:s9+$0x10470] =	vst v14;
	v5 =	vadd.f32 v10, v5;
	v6 =	vld [tilespmem:s9+$0x44A0]  }
0x66: {  	[tilespmem:s9+$0x10480] =	vst v13;
	v4 =	vadd.f32 v8, v4  }
0x67: {  	[tilespmem:s9+$0x10490] =	vst v5;
	v3 =	vadd.f32 v9, v3  }
0x68: {  	[tilespmem:s9+$0x104A0] =	vst v4;
	v2 =	vadd.f32 v11, v2  }
0x69: {  	s10 =	sshll.u32 s6, $0xB;
	[tilespmem:s9+$0x104B0] =	vst v3;
	v1 =	vadd.f32 v12, v1  }
0x6a: {  	s10 =	sadd.s32 s13, s10;
	[tilespmem:s9+$0x104C0] =	vst v2;
	v0 =	vadd.f32 v6, v0  }
0x6b: {  	s10 =	sshrl.u32 s10, $0x3;
	[tilespmem:s9+$0x104D0] =	vst v1  }
0x6c: {  	s14 =	sadd.s32 s7, s10;
	[tilespmem:s9+$0x104E0] =	vst v0  }
0x6d: {  	[hbm4b:s14+s21] =	stream.strided.scatter [tilespmem:s0], [sflag:$0x9], $0x4000, s3, s21, $0x38;
	[tilespmem:$0x1B600] =	vst v63  }
0x6e: {  	_ =	swait.ge [sflag:s2], $0x4000  }
0x6f: {  	[sflag:s2] =	ssyncset.done $0x0  }
0x70: {  	[sflag:s2] =	ssyncadd.s32 $0xFFFFC000  }
0x71: {  	_ =	swait.ge [sflag:s15], $0x4000  }
0x72: {  	[sflag:s15] =	ssyncset.done $0x0  }
0x73: {  	s9 =	simm.s32 @!p0 $0xA;
	[sflag:s15] =	ssyncadd.s32 $0xFFFFC000  }
0x74: {  	_ =	swait.ge @!p0 [sflag:s9], $0x4000  }
0x75: {  	p1 =	seq.s32 @!p0 s6, $0x31;
	[sflag:s9] =	ssyncset.done @!p0 $0x0  }
0x76: {  	p1 =	por p0, !p1;
	[sflag:s9] =	ssyncadd.s32 @!p0 $0xFFFFC000  }
0x77: {  	_ =	swait.ge @p1 [sflag:s17], $0x80  }
0x78: {  	[sflag:s17] =	ssyncset.done @p1 $0x0  }
0x79: {  	[sflag:s17] =	ssyncadd.s32 @p1 $0xFFFFFF80  }
0x7a: {  	_ =	swait.ge @p1 [sflag:s19], $0x80  }
0x7b: {  	[sflag:s19] =	ssyncset.done @p1 $0x0  }
0x7c: {  	[sflag:s19] =	ssyncadd.s32 @p1 $0xFFFFFF80  }
0x7d: {  	[tilespmem:s21], [sflag:$0x5] =	stream.indirect.gather @p1 [hbm4b:s4+s20], $0x80, s5, s20, $0xb8;
	[tilespmem:$0x1B600] =	vst v63  }
0x7e: {  	s9 =	simm.s32 @p1 $0x4400  }
0x7f: {  	[tilespmem:s9], [sflag:$0x6] =	stream.indirect.gather @p1 [hbm4b:s4+s20], $0x80, s18, s20, $0xb8;
	[tilespmem:$0x1B600] =	vst v63  }
0x80: {  	s9 =	sshll.u32 @p1 s16, $0xD  }
0x81: {  	s10 =	sadd.s32 @p1 s11, s9  }
0x82: {  	s9 =	sadd.s32 @p1 s12, s9;
	s10 =	sshrl.u32 @p1 s10, $0x3  }
0x83: {  	s9 =	sshrl.u32 @p1 s9, $0x3;
	s10 =	sadd.s32 @p1 s1, s10  }
0x84: {  	[tilespmem:s23], [sflag:$0x3] =	stream.linear.gather @p1 [hbm4b:s10+s5], $0x80, $0x38;
	[tilespmem:$0x1B600] =	vst v63  }
0x85: {  	s22 =	sshll.u32 s16, $0x7;
	s9 =	sadd.s32 @p1 s1, s9  }
0x86: {  	[tilespmem:s24], [sflag:$0x4] =	stream.linear.gather @p1 [hbm4b:s9+s5], $0x80, $0x38;
	[tilespmem:$0x1B600] =	vst v63  }
0x87: {  	s9 =	sand.u32 $0x3FFFFF80, s22  }
0x88: {  	v6 =	vld [tilespmem:s9+$0x18400]  }
0x89: {  	v5 =	vld [tilespmem:s9+$0x18410]  }
0x8a: {  	v4 =	vld [tilespmem:s9+$0x18420]  }
0x8b: {  	v3 =	vld [tilespmem:s9+$0x18430]  }
0x8c: {  	v2 =	vld [tilespmem:s9+$0x18440]  }
0x8d: {  	v1 =	vld [tilespmem:s9+$0x18450]  }
0x8e: {  	v0 =	vld [tilespmem:s9+$0x18460]  }
0x8f: {  	v7 =	vld [tilespmem:s9+$0x18470];
	s9 =	simm.s32 $0x0  }
0x90: {  	v8 =	vld [tilespmem:s9+$0xC4B0]  }
0x91: {  	v9 =	vld [tilespmem:s9+$0x8400]  }
0x92: {  	v10 =	vld [tilespmem:s9+$0x8410]  }
0x93: {  	v11 =	vld [tilespmem:s9+$0x8420]  }
0x94: {  	v12 =	vld [tilespmem:s9+$0x8430]  }
0x95: {  	v13 =	vld [tilespmem:s9+$0xC400];
	v8 =	vadd.f32 v8, v7  }
0x96: {  	v14 =	vld [tilespmem:s9+$0xC410];
	v9 =	vadd.f32 v9, v6  }
0x97: {  	v15 =	vld [tilespmem:s9+$0xC420];
	[tilespmem:s9+$0x144F0] =	vst v8;
	v8 =	vadd.f32 v10, v5  }
0x98: {  	v16 =	vld [tilespmem:s9+$0xC430];
	[tilespmem:s9+$0x14400] =	vst v9;
	v9 =	vadd.f32 v11, v4  }
0x99: {  	v17 =	vld [tilespmem:s9+$0x8480];
	[tilespmem:s9+$0x14410] =	vst v8;
	v8 =	vadd.f32 v12, v3  }
0x9a: {  	v10 =	vld [tilespmem:s9+$0x8490];
	[tilespmem:s9+$0x14420] =	vst v9;
	v9 =	vadd.f32 v13, v2  }
0x9b: {  	v11 =	vadd.f32 v14, v1;
	[tilespmem:s9+$0x14430] =	vst v8;
	v8 =	vld [tilespmem:s9+$0x84A0]  }
0x9c: {  	v12 =	vadd.f32 v15, v0;
	[tilespmem:s9+$0x14440] =	vst v9;
	v9 =	vld [tilespmem:s9+$0x84B0]  }
0x9d: {  	v14 =	vadd.f32 v16, v7;
	[tilespmem:s9+$0x14450] =	vst v11;
	v11 =	vld [tilespmem:s9+$0xC480]  }
0x9e: {  	s14 =	simm.s32 $0x400;
	s10 =	simm.s32 $0x0;
	v13 =	vadd.f32 v17, v6;
	[tilespmem:s9+$0x14460] =	vst v12;
	v12 =	vld [tilespmem:s9+$0xC490]  }
.LBB2_5:
0x9f: {  	s22 =	sshra.s32 s14, $0x2;
	s10 =	sadd.s32 $0x2, s10;
	[tilespmem:s9+$0x14470] =	vst v14;
	v10 =	vadd.f32 v10, v5;
	v14 =	vld [tilespmem:s9+$0xC4A0]  }
0xa0: {  	v15 =	vld [tilespmem:s22+$0xC4B0];
	p0 =	slt.u32 s10, $0x7E;
	[tilespmem:s9+$0x14480] =	vst v13;
	v8 =	vadd.f32 v8, v4  }
0xa1: {  	v13 =	vld [tilespmem:s22+$0x8400];
	[tilespmem:s9+$0x14490] =	vst v10;
	v9 =	vadd.f32 v9, v3  }
0xa2: {  	v10 =	vld [tilespmem:s22+$0x8410];
	[tilespmem:s9+$0x144A0] =	vst v8;
	v8 =	vadd.f32 v11, v2  }
0xa3: {  	v11 =	vld [tilespmem:s22+$0x8420];
	[tilespmem:s9+$0x144B0] =	vst v9;
	v9 =	vadd.f32 v12, v1  }
0xa4: {  	v12 =	vld [tilespmem:s22+$0x8430];
	[tilespmem:s9+$0x144C0] =	vst v8;
	v8 =	vadd.f32 v14, v0  }
0xa5: {  	v14 =	vld [tilespmem:s22+$0xC400];
	v15 =	vadd.f32 v15, v7;
	[tilespmem:s9+$0x144D0] =	vst v9  }
0xa6: {  	v9 =	vadd.f32 v13, v6;
	v13 =	vld [tilespmem:s22+$0xC410];
	[tilespmem:s9+$0x144E0] =	vst v8;
	s9 =	smov.u32 s22  }
0xa7: {  	v8 =	vadd.f32 v10, v5;
	v16 =	vld [tilespmem:s9+$0xC420];
	[tilespmem:s9+$0x144F0] =	vst v15  }
0xa8: {  	[tilespmem:s9+$0x14400] =	vst v9;
	v9 =	vadd.f32 v11, v4;
	v11 =	vld [tilespmem:s9+$0xC430]  }
0xa9: {  	[tilespmem:s9+$0x14410] =	vst v8;
	v8 =	vadd.f32 v12, v3;
	v12 =	vld [tilespmem:s9+$0x8480]  }
.Ltmp1:
0xaa: {  	[tilespmem:s9+$0x14420] =	vst v9;
	v9 =	vadd.f32 v14, v2;
	v10 =	vld [tilespmem:s9+$0x8490];
	(pc) =	sbr.rel @p0 .LBB2_5-.Ltmp1, $4  }
0xab: {  	[tilespmem:s9+$0x14430] =	vst v8;
	v13 =	vadd.f32 v13, v1;
	v8 =	vld [tilespmem:s9+$0x84A0]  }
0xac: {  	[tilespmem:s9+$0x14440] =	vst v9;
	v15 =	vadd.f32 v16, v0;
	v9 =	vld [tilespmem:s9+$0x84B0]  }
0xad: {  	[tilespmem:s9+$0x14450] =	vst v13;
	v14 =	vadd.f32 v11, v7;
	v11 =	vld [tilespmem:s9+$0xC480]  }
0xae: {  	s14 =	sadd.s32 $0x400, s14;
	[tilespmem:s9+$0x14460] =	vst v15;
	v13 =	vadd.f32 v12, v6;
	v12 =	vld [tilespmem:s9+$0xC490]  }
0xaf: {  	[tilespmem:s9+$0x14470] =	vst v14;
	v5 =	vadd.f32 v10, v5;
	v6 =	vld [tilespmem:s9+$0xC4A0]  }
0xb0: {  	[tilespmem:s9+$0x14480] =	vst v13;
	v4 =	vadd.f32 v8, v4  }
0xb1: {  	s6 =	sadd.s32 $0x1, s6;
	[tilespmem:s9+$0x14490] =	vst v5;
	v3 =	vadd.f32 v9, v3  }
0xb2: {  	p0 =	sne.s32 s6, $0x32;
	[tilespmem:s9+$0x144A0] =	vst v4;
	v2 =	vadd.f32 v11, v2  }
.Ltmp2:
0xb3: {  	s10 =	sshll.u32 s16, $0xA;
	[tilespmem:s9+$0x144B0] =	vst v3;
	v1 =	vadd.f32 v12, v1;
	(pc) =	sbr.rel @p0 .LBB2_2-.Ltmp2, $4  }
0xb4: {  	s10 =	sadd.s32 s13, s10;
	[tilespmem:s9+$0x144C0] =	vst v2;
	v0 =	vadd.f32 v6, v0  }
0xb5: {  	s10 =	sshrl.u32 s10, $0x3;
	[tilespmem:s9+$0x144D0] =	vst v1  }
0xb6: {  	s22 =	sadd.s32 s7, s10;
	[tilespmem:s9+$0x144E0] =	vst v0  }
0xb7: {  	[hbm4b:s22+s21] =	stream.strided.scatter [tilespmem:s8], [sflag:$0xA], $0x4000, s3, s21, $0x38;
	[tilespmem:$0x1B600] =	vst v63  }
0xb8: {  	s6 =	simm.s32 $0x9  }
0xb9: {  	_ =	swait.ge [sflag:s6], $0x4000  }
0xba: {  	[sflag:s6] =	ssyncset.done $0x0  }
0xbb: {  	s9 =	simm.s32 $0xA;
	[sflag:s6] =	ssyncadd.s32 $0xFFFFC000  }
0xbc: {  	_ =	swait.ge [sflag:s9], $0x4000  }
0xbd: {  	s10 =	rddreg [dreg:$0xa]  }
0xbe: {  	s22 =	rddreg [dreg:$0x9];
	s10 =	sadd.s32 $0x1, s10  }
0xbf: {  	p0 =	sne.s32 s10, s22  }
.Ltmp3:
0xc0: {  	_ = 	snop;
	(pc) =	sbr.rel @p0 .LBB2_1-.Ltmp3, $3  }
0xc1: {  	_ =	sdelay $0x1  }
0xc2: {  	[sflag:s9] =	ssyncset.done $0x0  }
0xc3: {  	[sflag:s9] =	ssyncadd.s32 $0xFFFFC000  }
0xc4: {  	_ =	sfence.sel $0x180000  }
0xc5: {  	[bflag:$0x0] =	sbarrier.arrive $0xFFFF  }
0xc6: {  	_ =	strace $0x90000047  }
0xc7: {  	s0 =	stileid.u32;
	[bflag:$0x2] =	sbarrier.arrive $0xFFFF  }
0xc8: {  	p0 =	sne.s32 s0, $0x0;
	s0 =	rddreg [dreg:$0x4]  }
0xc9: {  	s0 =	sadd.s32 @!p0 $0x100000, s0  }
0xca: {  	[sflag:s0] =	ssyncadd.tile.s32 @!p0 $0x1;
	_ =	shalt  }
.Lfunc_end2:
_tile_overlayer_lowered:
.L_overlay_start_2:
0xcb: {  	(tag) =	ssettag $0x2  }
0xcc: {  	s0 =	rddreg [dreg:$0x0];
	s2 =	stileid.u32  }
0xcd: {  	s1 =	rddreg [dreg:$0x1];
	p0 =	sne.s32 s2, $0x0  }
0xce: {  	s3 =	rddreg [dreg:$0x2];
	[bflag:$0x3] =	sbarrier.arrive $0xFFFF;
	s2 =	simm.s32 @!p0 $0x1C0B  }
0xcf: {  	[timem:s3], [sflag:s2] =	dma.local @!p0 [hbm:s0], s1  }
0xd0: {  	s0 =	simm.s32 @!p0 $0xB  }
0xd1: {  	_ =	swait.ge @!p0 [sflag:s0], s1  }
0xd2: {  	s1 =	ssub.s32 @!p0 $0x0, s1;
	[sflag:s0] =	ssyncset.done @!p0 $0x0  }
0xd3: {  	[sflag:s0] =	ssyncadd.s32 @!p0 s1  }
0xd4: {  	[bflag:$0x3] =	sbarrier.arrive $0xFFFF  }
0xd5: {  	_ =	shalt  }

</sc_bundles>
